<compile_context>
chip_gen: v7x
topology: tpu7x:2x2x1
jax: 0.10.2.dev20260603
libtpu: 0.0.44.dev20260713+nightly
codegen_flags: <defaults>
</compile_context>

<pallas_src>
import functools

import jax
import jax.numpy as jnp
from jax import lax
from jax.experimental import pallas as pl
from jax.experimental.pallas import tpu as pltpu
from jax.experimental.pallas import tpu_sc as plsc

N = 10000
E = 320000
D = 128
NC, NS = 2, 16
NW = NC * NS
EPT = E // NW
CH = 80
NCHUNK = EPT // CH
NBUF = 5
ROWS_PT = N // NS


def _sc_segment_sum(x, srcr, dstr, zrows, zcnt):
    mesh = plsc.VectorSubcoreMesh(core_axis_name="c", subcore_axis_name="s")

    @functools.partial(
        pl.kernel,
        mesh=mesh,
        out_type=(
            jax.ShapeDtypeStruct((NC, NS, ROWS_PT, D), jnp.bfloat16),
            jax.ShapeDtypeStruct((NC, NS, N), jnp.float32),
        ),
        scratch_types=[
            pltpu.VMEM((NCHUNK, CH), jnp.int32),
            pltpu.VMEM((NCHUNK, CH), jnp.int32),
            pltpu.VMEM((NBUF, CH, D), jnp.bfloat16),
            pltpu.VMEM((N,), jnp.float32),
            pltpu.VMEM_SHARED((N, D), jnp.bfloat16),
        ] + [pltpu.SemaphoreType.DMA] * (NBUF + 1),
        compiler_params=pltpu.CompilerParams(use_tc_tiling_on_sc=False,
                                             needs_layout_passes=False),
    )
    def k(x_hbm, src_hbm, dst_hbm, z_hbm, zc_hbm, part_hbm, cnt_hbm,
          src_v, dst_v, rows, hist, acc_sh, *sems):
        zsem = sems[NBUF]
        c = lax.axis_index("c")
        s = lax.axis_index("s")
        wid = c * NS + s
        ones16 = jnp.ones((16,), jnp.float32)

        pltpu.async_copy(z_hbm, acc_sh.at[pl.ds(s * ROWS_PT, ROWS_PT)], zsem)
        pltpu.sync_copy(src_hbm.at[wid], src_v)
        pltpu.sync_copy(dst_hbm.at[wid], dst_v)
        pltpu.sync_copy(zc_hbm, hist)
        for b in range(NBUF):
            pltpu.async_copy(x_hbm.at[src_v.at[b]], rows.at[b], sems[b])
        pltpu.make_async_copy(z_hbm, acc_sh.at[pl.ds(s * ROWS_PT, ROWS_PT)],
                              zsem).wait()
        plsc.subcore_barrier()

        def group(g, carry):
            for b in range(NBUF):
                j = g * NBUF + b
                pltpu.make_async_copy(x_hbm.at[src_v.at[j]], rows.at[b],
                                      sems[b]).wait()
                pltpu.sync_copy(rows.at[b], acc_sh.at[dst_v.at[j]], add=True)

                @pl.when(j + NBUF < NCHUNK)
                def _():
                    pltpu.async_copy(x_hbm.at[src_v.at[j + NBUF]],
                                     rows.at[b], sems[b])

                for kk in range(CH // 16):
                    idx = dst_v[j, pl.ds(kk * 16, 16)]
                    plsc.addupdate_scatter(hist, [idx], ones16)
            return carry

        lax.fori_loop(0, NCHUNK // NBUF, group, 0)

        pltpu.sync_copy(hist, cnt_hbm.at[c, s])
        plsc.subcore_barrier()
        pltpu.sync_copy(acc_sh.at[pl.ds(s * ROWS_PT, ROWS_PT)],
                        part_hbm.at[c, s])

    return k(x, srcr, dstr, zrows, zcnt)


def _tc_finish(parts, cnts, x, wlt, wrt, b):
    B = 2000

    def body(p_ref, c_ref, x_ref, wlt_ref, wrt_ref, b_ref, o_ref):
        p = p_ref[...].astype(jnp.float32)
        summed = p[0] + p[1]
        cnt = jnp.sum(c_ref[...], axis=1, keepdims=True)
        mean = summed / jnp.maximum(cnt, 1.0)
        dn = (((1,), (1,)), ((), ()))
        o_ref[...] = (
            lax.dot_general(mean, wlt_ref[...], dn,
                            preferred_element_type=jnp.float32)
            + lax.dot_general(x_ref[...], wrt_ref[...], dn,
                              preferred_element_type=jnp.float32)
            + b_ref[...]
        )

    return pl.pallas_call(
        body,
        grid=(N // B,),
        in_specs=[
            pl.BlockSpec((NC, B, D), lambda i: (0, i, 0)),
            pl.BlockSpec((B, NW), lambda i: (i, 0)),
            pl.BlockSpec((B, D), lambda i: (i, 0)),
            pl.BlockSpec((D, D), lambda i: (0, 0)),
            pl.BlockSpec((D, D), lambda i: (0, 0)),
            pl.BlockSpec((1, D), lambda i: (0, 0)),
        ],
        out_specs=pl.BlockSpec((B, D), lambda i: (i, 0)),
        out_shape=jax.ShapeDtypeStruct((N, D), jnp.float32),
    )(parts, cnts, x, wlt, wrt, b)


def kernel(x, edge_index, W_l, b_l, W_r, training):
    src = edge_index[0].astype(jnp.int32).reshape(NW, NCHUNK, CH)
    dst = edge_index[1].astype(jnp.int32).reshape(NW, NCHUNK, CH)
    zrows = jnp.zeros((ROWS_PT, D), jnp.bfloat16)
    zcnt = jnp.zeros((N,), jnp.float32)
    xb = x.astype(jnp.bfloat16)
    parts, cnts = _sc_segment_sum(xb, src, dst, zrows, zcnt)
    parts = parts.reshape(NC, N, D)
    cnts = cnts.reshape(NW, N).T
    return _tc_finish(parts, cnts, xb, W_l, W_r, b_l.reshape(1, D))

# --- scband reference (transcript-rebuilt; emitter-appended) ---
"""Pipeline reference for scband-gcn-1520418423141 (READ-ONLY COPY).

The authoritative reference and input builder live on the scoring server;
editing this copy changes nothing except your own understanding.
"""

import jax, jax.numpy as jnp
import numpy as np

N = 10000
E = 320000
D_IN = 128
D_OUT = 128


def setup_inputs(seed: int = 0):
    key = jax.random.key(seed)
    k1, k2, k3, k4 = jax.random.split(key, 4)
    x = jax.random.normal(k1, (N, D_IN), dtype=jnp.float32)
    edge_index = jax.random.randint(k2, (2, E), 0, N)
    # SAGEConv params: lin_l (aggregated neighbors, with bias), lin_r (root, no bias)
    W_l = jax.random.normal(k3, (D_OUT, D_IN), dtype=jnp.float32) / np.sqrt(D_IN)
    b_l = jnp.zeros((D_OUT,), dtype=jnp.float32)
    W_r = jax.random.normal(k4, (D_OUT, D_IN), dtype=jnp.float32) / np.sqrt(D_IN)
    return {"x": x, "edge_index": edge_index, "W_l": W_l, "b_l": b_l, "W_r": W_r, "training": 0}


def reference(x, edge_index, W_l, b_l, W_r, training=0):
    # F.dropout with training=False is identity, so dropout is a no-op here.
    # SAGEConv (normalize=False, aggr='mean'):
    #   out = lin_l(mean_{j in N(i)} x_j) + lin_r(x_i)
    src = edge_index[0]
    dst = edge_index[1]
    msgs = jnp.take(x, src, axis=0)                                   # gather  [E, D]
    summed = jax.ops.segment_sum(msgs, dst, num_segments=N)           # scatter-add [N, D]
    cnt = jax.ops.segment_sum(jnp.ones((E,), jnp.float32), dst, num_segments=N)
    mean = summed / jnp.clip(cnt, 1.0)[:, None]
    out = mean @ W_l.T + b_l + x @ W_r.T
    return out

if __name__ == "__main__":
    import jax
    _d = setup_inputs()
    print(jax.jit(kernel)(*tuple(_d.values())))

</pallas_src>

<mosaic_0001>
#map = affine_map<(d0, d1) -> (0, 0)>
#map1 = affine_map<(d0, d1) -> (0, 0, 0)>
#map2 = affine_map<(d0, d1) -> (0)>
#map3 = affine_map<(d0, d1) -> (0, 0, 0, 0)>
module attributes {stable_mosaic.version = 14 : i64} {
  func.func @k(%arg0: i32, %arg1: i32, %arg2: memref<10000x128xbf16, #tpu.memory_space<hbm>>, %arg3: memref<32x125x80xi32, #tpu.memory_space<hbm>>, %arg4: memref<32x125x80xi32, #tpu.memory_space<hbm>>, %arg5: memref<625x128xbf16, #tpu.memory_space<hbm>>, %arg6: memref<10000xf32, #tpu.memory_space<hbm>>, %arg7: memref<2x16x625x128xbf16, #tpu.memory_space<hbm>>, %arg8: memref<2x16x10000xf32, #tpu.memory_space<hbm>>, %arg9: memref<125x80xi32, #tpu.memory_space<vmem>>, %arg10: memref<125x80xi32, #tpu.memory_space<vmem>>, %arg11: memref<5x80x128xbf16, #tpu.memory_space<vmem>>, %arg12: memref<10000xf32, #tpu.memory_space<vmem>>, %arg13: memref<10000x128xbf16, #tpu.memory_space<vmem_shared>>, %arg14: memref<!tpu.dma_semaphore, #tpu.memory_space<semaphore_mem>>, %arg15: memref<!tpu.dma_semaphore, #tpu.memory_space<semaphore_mem>>, %arg16: memref<!tpu.dma_semaphore, #tpu.memory_space<semaphore_mem>>, %arg17: memref<!tpu.dma_semaphore, #tpu.memory_space<semaphore_mem>>, %arg18: memref<!tpu.dma_semaphore, #tpu.memory_space<semaphore_mem>>, %arg19: memref<!tpu.dma_semaphore, #tpu.memory_space<semaphore_mem>>) attributes {dimension_semantics = [#tpu.dimension_semantics<core_parallel>, #tpu.dimension_semantics<subcore_parallel>], iteration_bounds = array<i64: 2, 16>, scalar_prefetch = 0 : i64, scratch_operands = 11 : i64, tpu.core_type = #tpu.core_type<sc_vector_subcore>, window_params = [{transform_indices = #map}, {transform_indices = #map1}, {transform_indices = #map1}, {transform_indices = #map}, {transform_indices = #map2}, {transform_indices = #map3}, {transform_indices = #map1}]} {
    %mul3A = arith.constant 16 : i32
    %mul3A_0 = arith.muli %arg0, %mul3A : i32
    %add3A = arith.addi %mul3A_0, %arg1 : i32
    %broadcast_in_dim3A = arith.constant 1.000000e+00 : f32
    %broadcast_in_dim3A_1 = vector.broadcast %broadcast_in_dim3A : f32 to vector<16xf32>
    %mul3A_2 = arith.constant 625 : i32
    %mul3A_3 = arith.muli %arg1, %mul3A_2 : i32
    %dma_start3A = arith.constant 0 : i32
    %dma_start3A_4 = tpu.memref_slice %arg13[%mul3A_3, %dma_start3A] : memref<10000x128xbf16, #tpu.memory_space<vmem_shared>> -> memref<625x128xbf16, #tpu.memory_space<vmem_shared>>
    tpu.enqueue_dma source(%arg5 : memref<625x128xbf16, #tpu.memory_space<hbm>>) target(%dma_start3A_4 : memref<625x128xbf16, #tpu.memory_space<vmem_shared>>) target_semaphore(%arg19 : memref<!tpu.dma_semaphore, #tpu.memory_space<semaphore_mem>>)
    "tpu.region"() ({
      %run_scoped3A = tpu.sem_alloc : memref<!tpu.dma_semaphore, #tpu.memory_space<semaphore_mem>>
      %dma_start3A_76 = arith.constant 0 : i32
      %dma_start3A_77 = arith.constant 0 : i32
      %dma_start3A_78 = tpu.memref_slice %arg3[%add3A, %dma_start3A_76, %dma_start3A_77] : memref<32x125x80xi32, #tpu.memory_space<hbm>> -> memref<1x125x80xi32, #tpu.memory_space<hbm>>
      %dma_start3A_79 = tpu.memref_squeeze %dma_start3A_78 : memref<1x125x80xi32, #tpu.memory_space<hbm>> -> memref<125x80xi32, #tpu.memory_space<hbm>>
      %dma_start3A_80 = arith.constant 0 : i32
      %dma_start3A_81 = arith.constant 0 : i32
      %dma_start3A_82 = tpu.memref_slice %arg3[%add3A, %dma_start3A_80, %dma_start3A_81] : memref<32x125x80xi32, #tpu.memory_space<hbm>> -> memref<1x125x80xi32, #tpu.memory_space<hbm>>
      %dma_start3A_83 = tpu.memref_squeeze %dma_start3A_82 : memref<1x125x80xi32, #tpu.memory_space<hbm>> -> memref<125x80xi32, #tpu.memory_space<hbm>>
      tpu.enqueue_dma source(%dma_start3A_83 : memref<125x80xi32, #tpu.memory_space<hbm>>) target(%arg9 : memref<125x80xi32, #tpu.memory_space<vmem>>) target_semaphore(%run_scoped3A : memref<!tpu.dma_semaphore, #tpu.memory_space<semaphore_mem>>)
      %dma_wait3A_84 = arith.constant 0 : i32
      %dma_wait3A_85 = arith.constant 0 : i32
      %dma_wait3A_86 = tpu.memref_slice %arg3[%add3A, %dma_wait3A_84, %dma_wait3A_85] : memref<32x125x80xi32, #tpu.memory_space<hbm>> -> memref<1x125x80xi32, #tpu.memory_space<hbm>>
      %dma_wait3A_87 = tpu.memref_squeeze %dma_wait3A_86 : memref<1x125x80xi32, #tpu.memory_space<hbm>> -> memref<125x80xi32, #tpu.memory_space<hbm>>
      %dma_wait3A_88 = arith.constant 0 : i32
      %dma_wait3A_89 = arith.constant 0 : i32
      %dma_wait3A_90 = tpu.memref_slice %arg3[%add3A, %dma_wait3A_88, %dma_wait3A_89] : memref<32x125x80xi32, #tpu.memory_space<hbm>> -> memref<1x125x80xi32, #tpu.memory_space<hbm>>
      %dma_wait3A_91 = tpu.memref_squeeze %dma_wait3A_90 : memref<1x125x80xi32, #tpu.memory_space<hbm>> -> memref<125x80xi32, #tpu.memory_space<hbm>>
      tpu.wait_dma2 semaphore(%run_scoped3A : memref<!tpu.dma_semaphore, #tpu.memory_space<semaphore_mem>>) src(%dma_wait3A_91 : memref<125x80xi32, #tpu.memory_space<hbm>>) dst(%arg9 : memref<125x80xi32, #tpu.memory_space<vmem>>)
      tpu.yield
    }) : () -> ()
    "tpu.region"() ({
      %run_scoped3A = tpu.sem_alloc : memref<!tpu.dma_semaphore, #tpu.memory_space<semaphore_mem>>
      %dma_start3A_76 = arith.constant 0 : i32
      %dma_start3A_77 = arith.constant 0 : i32
      %dma_start3A_78 = tpu.memref_slice %arg4[%add3A, %dma_start3A_76, %dma_start3A_77] : memref<32x125x80xi32, #tpu.memory_space<hbm>> -> memref<1x125x80xi32, #tpu.memory_space<hbm>>
      %dma_start3A_79 = tpu.memref_squeeze %dma_start3A_78 : memref<1x125x80xi32, #tpu.memory_space<hbm>> -> memref<125x80xi32, #tpu.memory_space<hbm>>
      %dma_start3A_80 = arith.constant 0 : i32
      %dma_start3A_81 = arith.constant 0 : i32
      %dma_start3A_82 = tpu.memref_slice %arg4[%add3A, %dma_start3A_80, %dma_start3A_81] : memref<32x125x80xi32, #tpu.memory_space<hbm>> -> memref<1x125x80xi32, #tpu.memory_space<hbm>>
      %dma_start3A_83 = tpu.memref_squeeze %dma_start3A_82 : memref<1x125x80xi32, #tpu.memory_space<hbm>> -> memref<125x80xi32, #tpu.memory_space<hbm>>
      tpu.enqueue_dma source(%dma_start3A_83 : memref<125x80xi32, #tpu.memory_space<hbm>>) target(%arg10 : memref<125x80xi32, #tpu.memory_space<vmem>>) target_semaphore(%run_scoped3A : memref<!tpu.dma_semaphore, #tpu.memory_space<semaphore_mem>>)
      %dma_wait3A_84 = arith.constant 0 : i32
      %dma_wait3A_85 = arith.constant 0 : i32
      %dma_wait3A_86 = tpu.memref_slice %arg4[%add3A, %dma_wait3A_84, %dma_wait3A_85] : memref<32x125x80xi32, #tpu.memory_space<hbm>> -> memref<1x125x80xi32, #tpu.memory_space<hbm>>
      %dma_wait3A_87 = tpu.memref_squeeze %dma_wait3A_86 : memref<1x125x80xi32, #tpu.memory_space<hbm>> -> memref<125x80xi32, #tpu.memory_space<hbm>>
      %dma_wait3A_88 = arith.constant 0 : i32
      %dma_wait3A_89 = arith.constant 0 : i32
      %dma_wait3A_90 = tpu.memref_slice %arg4[%add3A, %dma_wait3A_88, %dma_wait3A_89] : memref<32x125x80xi32, #tpu.memory_space<hbm>> -> memref<1x125x80xi32, #tpu.memory_space<hbm>>
      %dma_wait3A_91 = tpu.memref_squeeze %dma_wait3A_90 : memref<1x125x80xi32, #tpu.memory_space<hbm>> -> memref<125x80xi32, #tpu.memory_space<hbm>>
      tpu.wait_dma2 semaphore(%run_scoped3A : memref<!tpu.dma_semaphore, #tpu.memory_space<semaphore_mem>>) src(%dma_wait3A_91 : memref<125x80xi32, #tpu.memory_space<hbm>>) dst(%arg10 : memref<125x80xi32, #tpu.memory_space<vmem>>)
      tpu.yield
    }) : () -> ()
    "tpu.region"() ({
      %run_scoped3A = tpu.sem_alloc : memref<!tpu.dma_semaphore, #tpu.memory_space<semaphore_mem>>
      tpu.enqueue_dma source(%arg6 : memref<10000xf32, #tpu.memory_space<hbm>>) target(%arg12 : memref<10000xf32, #tpu.memory_space<vmem>>) target_semaphore(%run_scoped3A : memref<!tpu.dma_semaphore, #tpu.memory_space<semaphore_mem>>)
      tpu.wait_dma2 semaphore(%run_scoped3A : memref<!tpu.dma_semaphore, #tpu.memory_space<semaphore_mem>>) src(%arg6 : memref<10000xf32, #tpu.memory_space<hbm>>) dst(%arg12 : memref<10000xf32, #tpu.memory_space<vmem>>)
      tpu.yield
    }) : () -> ()
    %dma_start3A_5 = arith.constant 0 : i32
    %dma_start3A_6 = arith.constant 0 : i32
    %dma_start3A_7 = arith.constant 0 : i32
    %dma_start3A_8 = arith.constant 0 : i32
    %dma_start3A_9 = tpu.memref_slice %arg11[%dma_start3A_6, %dma_start3A_7, %dma_start3A_8] : memref<5x80x128xbf16, #tpu.memory_space<vmem>> -> memref<1x80x128xbf16, #tpu.memory_space<vmem>>
    %dma_start3A_10 = tpu.memref_squeeze %dma_start3A_9 : memref<1x80x128xbf16, #tpu.memory_space<vmem>> -> memref<80x128xbf16, #tpu.memory_space<vmem>>
    %dma_start3A_11 = arith.constant 0 : i32
    %dma_start3A_12 = tpu.memref_slice %arg9[%dma_start3A_5, %dma_start3A_11] : memref<125x80xi32, #tpu.memory_space<vmem>> -> memref<1x80xi32, #tpu.memory_space<vmem>>
    %dma_start3A_13 = tpu.memref_squeeze %dma_start3A_12 : memref<1x80xi32, #tpu.memory_space<vmem>> -> memref<80xi32, #tpu.memory_space<vmem>>
    %dma_start3A_14 = arith.constant 0 : i32
    %dma_start3A_15 = arith.constant 0 : i32
    %dma_start3A_16 = tpu.memref_slice %arg2[%dma_start3A_14, %dma_start3A_15] : memref<10000x128xbf16, #tpu.memory_space<hbm>> -> memref<10000x128xbf16, #tpu.memory_space<hbm>>
    tpu.enqueue_indirect_dma source(%dma_start3A_16 : memref<10000x128xbf16, #tpu.memory_space<hbm>>) target(%dma_start3A_10 : memref<80x128xbf16, #tpu.memory_space<vmem>>) offsets(%dma_start3A_13 : memref<80xi32, #tpu.memory_space<vmem>>) semaphore(%arg14 : memref<!tpu.dma_semaphore, #tpu.memory_space<semaphore_mem>>)
    %dma_start3A_17 = arith.constant 1 : i32
    %dma_start3A_18 = arith.constant 1 : i32
    %dma_start3A_19 = arith.constant 0 : i32
    %dma_start3A_20 = arith.constant 0 : i32
    %dma_start3A_21 = tpu.memref_slice %arg11[%dma_start3A_18, %dma_start3A_19, %dma_start3A_20] : memref<5x80x128xbf16, #tpu.memory_space<vmem>> -> memref<1x80x128xbf16, #tpu.memory_space<vmem>>
    %dma_start3A_22 = tpu.memref_squeeze %dma_start3A_21 : memref<1x80x128xbf16, #tpu.memory_space<vmem>> -> memref<80x128xbf16, #tpu.memory_space<vmem>>
    %dma_start3A_23 = arith.constant 0 : i32
    %dma_start3A_24 = tpu.memref_slice %arg9[%dma_start3A_17, %dma_start3A_23] : memref<125x80xi32, #tpu.memory_space<vmem>> -> memref<1x80xi32, #tpu.memory_space<vmem>>
    %dma_start3A_25 = tpu.memref_squeeze %dma_start3A_24 : memref<1x80xi32, #tpu.memory_space<vmem>> -> memref<80xi32, #tpu.memory_space<vmem>>
    %dma_start3A_26 = arith.constant 0 : i32
    %dma_start3A_27 = arith.constant 0 : i32
    %dma_start3A_28 = tpu.memref_slice %arg2[%dma_start3A_26, %dma_start3A_27] : memref<10000x128xbf16, #tpu.memory_space<hbm>> -> memref<10000x128xbf16, #tpu.memory_space<hbm>>
    tpu.enqueue_indirect_dma source(%dma_start3A_28 : memref<10000x128xbf16, #tpu.memory_space<hbm>>) target(%dma_start3A_22 : memref<80x128xbf16, #tpu.memory_space<vmem>>) offsets(%dma_start3A_25 : memref<80xi32, #tpu.memory_space<vmem>>) semaphore(%arg15 : memref<!tpu.dma_semaphore, #tpu.memory_space<semaphore_mem>>)
    %dma_start3A_29 = arith.constant 2 : i32
    %dma_start3A_30 = arith.constant 2 : i32
    %dma_start3A_31 = arith.constant 0 : i32
    %dma_start3A_32 = arith.constant 0 : i32
    %dma_start3A_33 = tpu.memref_slice %arg11[%dma_start3A_30, %dma_start3A_31, %dma_start3A_32] : memref<5x80x128xbf16, #tpu.memory_space<vmem>> -> memref<1x80x128xbf16, #tpu.memory_space<vmem>>
    %dma_start3A_34 = tpu.memref_squeeze %dma_start3A_33 : memref<1x80x128xbf16, #tpu.memory_space<vmem>> -> memref<80x128xbf16, #tpu.memory_space<vmem>>
    %dma_start3A_35 = arith.constant 0 : i32
    %dma_start3A_36 = tpu.memref_slice %arg9[%dma_start3A_29, %dma_start3A_35] : memref<125x80xi32, #tpu.memory_space<vmem>> -> memref<1x80xi32, #tpu.memory_space<vmem>>
    %dma_start3A_37 = tpu.memref_squeeze %dma_start3A_36 : memref<1x80xi32, #tpu.memory_space<vmem>> -> memref<80xi32, #tpu.memory_space<vmem>>
    %dma_start3A_38 = arith.constant 0 : i32
    %dma_start3A_39 = arith.constant 0 : i32
    %dma_start3A_40 = tpu.memref_slice %arg2[%dma_start3A_38, %dma_start3A_39] : memref<10000x128xbf16, #tpu.memory_space<hbm>> -> memref<10000x128xbf16, #tpu.memory_space<hbm>>
    tpu.enqueue_indirect_dma source(%dma_start3A_40 : memref<10000x128xbf16, #tpu.memory_space<hbm>>) target(%dma_start3A_34 : memref<80x128xbf16, #tpu.memory_space<vmem>>) offsets(%dma_start3A_37 : memref<80xi32, #tpu.memory_space<vmem>>) semaphore(%arg16 : memref<!tpu.dma_semaphore, #tpu.memory_space<semaphore_mem>>)
    %dma_start3A_41 = arith.constant 3 : i32
    %dma_start3A_42 = arith.constant 3 : i32
    %dma_start3A_43 = arith.constant 0 : i32
    %dma_start3A_44 = arith.constant 0 : i32
    %dma_start3A_45 = tpu.memref_slice %arg11[%dma_start3A_42, %dma_start3A_43, %dma_start3A_44] : memref<5x80x128xbf16, #tpu.memory_space<vmem>> -> memref<1x80x128xbf16, #tpu.memory_space<vmem>>
    %dma_start3A_46 = tpu.memref_squeeze %dma_start3A_45 : memref<1x80x128xbf16, #tpu.memory_space<vmem>> -> memref<80x128xbf16, #tpu.memory_space<vmem>>
    %dma_start3A_47 = arith.constant 0 : i32
    %dma_start3A_48 = tpu.memref_slice %arg9[%dma_start3A_41, %dma_start3A_47] : memref<125x80xi32, #tpu.memory_space<vmem>> -> memref<1x80xi32, #tpu.memory_space<vmem>>
    %dma_start3A_49 = tpu.memref_squeeze %dma_start3A_48 : memref<1x80xi32, #tpu.memory_space<vmem>> -> memref<80xi32, #tpu.memory_space<vmem>>
    %dma_start3A_50 = arith.constant 0 : i32
    %dma_start3A_51 = arith.constant 0 : i32
    %dma_start3A_52 = tpu.memref_slice %arg2[%dma_start3A_50, %dma_start3A_51] : memref<10000x128xbf16, #tpu.memory_space<hbm>> -> memref<10000x128xbf16, #tpu.memory_space<hbm>>
    tpu.enqueue_indirect_dma source(%dma_start3A_52 : memref<10000x128xbf16, #tpu.memory_space<hbm>>) target(%dma_start3A_46 : memref<80x128xbf16, #tpu.memory_space<vmem>>) offsets(%dma_start3A_49 : memref<80xi32, #tpu.memory_space<vmem>>) semaphore(%arg17 : memref<!tpu.dma_semaphore, #tpu.memory_space<semaphore_mem>>)
    %dma_start3A_53 = arith.constant 4 : i32
    %dma_start3A_54 = arith.constant 4 : i32
    %dma_start3A_55 = arith.constant 0 : i32
    %dma_start3A_56 = arith.constant 0 : i32
    %dma_start3A_57 = tpu.memref_slice %arg11[%dma_start3A_54, %dma_start3A_55, %dma_start3A_56] : memref<5x80x128xbf16, #tpu.memory_space<vmem>> -> memref<1x80x128xbf16, #tpu.memory_space<vmem>>
    %dma_start3A_58 = tpu.memref_squeeze %dma_start3A_57 : memref<1x80x128xbf16, #tpu.memory_space<vmem>> -> memref<80x128xbf16, #tpu.memory_space<vmem>>
    %dma_start3A_59 = arith.constant 0 : i32
    %dma_start3A_60 = tpu.memref_slice %arg9[%dma_start3A_53, %dma_start3A_59] : memref<125x80xi32, #tpu.memory_space<vmem>> -> memref<1x80xi32, #tpu.memory_space<vmem>>
    %dma_start3A_61 = tpu.memref_squeeze %dma_start3A_60 : memref<1x80xi32, #tpu.memory_space<vmem>> -> memref<80xi32, #tpu.memory_space<vmem>>
    %dma_start3A_62 = arith.constant 0 : i32
    %dma_start3A_63 = arith.constant 0 : i32
    %dma_start3A_64 = tpu.memref_slice %arg2[%dma_start3A_62, %dma_start3A_63] : memref<10000x128xbf16, #tpu.memory_space<hbm>> -> memref<10000x128xbf16, #tpu.memory_space<hbm>>
    tpu.enqueue_indirect_dma source(%dma_start3A_64 : memref<10000x128xbf16, #tpu.memory_space<hbm>>) target(%dma_start3A_58 : memref<80x128xbf16, #tpu.memory_space<vmem>>) offsets(%dma_start3A_61 : memref<80xi32, #tpu.memory_space<vmem>>) semaphore(%arg18 : memref<!tpu.dma_semaphore, #tpu.memory_space<semaphore_mem>>)
    %mul3A_65 = arith.constant 625 : i32
    %mul3A_66 = arith.muli %arg1, %mul3A_65 : i32
    %dma_wait3A = arith.constant 0 : i32
    %dma_wait3A_67 = tpu.memref_slice %arg13[%mul3A_66, %dma_wait3A] : memref<10000x128xbf16, #tpu.memory_space<vmem_shared>> -> memref<625x128xbf16, #tpu.memory_space<vmem_shared>>
    tpu.wait_dma2 semaphore(%arg19 : memref<!tpu.dma_semaphore, #tpu.memory_space<semaphore_mem>>) src(%arg5 : memref<625x128xbf16, #tpu.memory_space<hbm>>) dst(%dma_wait3A_67 : memref<625x128xbf16, #tpu.memory_space<vmem_shared>>)
    %barrier3A = arith.constant 0 : index
    tpu.barrier barrier_id(%barrier3A)
    %scan3A = arith.constant 0 : i32
    %scan3A_68 = arith.constant 0 : i32
    %scan3A_69 = arith.constant 25 : i32
    %scan3A_70 = arith.addi %scan3A_68, %scan3A_69 : i32
    %scan3A_71 = arith.constant 1 : i32
    scf.for %scan3A_76 = %scan3A_68 to %scan3A_70 step %scan3A_71  : i32 {
      %mul3A_77 = arith.constant 5 : i32
      %mul3A_78 = arith.muli %scan3A_76, %mul3A_77 : i32
      %add3A_79 = arith.constant 0 : i32
      %add3A_80 = arith.addi %mul3A_78, %add3A_79 : i32
      %dma_wait3A_81 = arith.constant 0 : i32
      %dma_wait3A_82 = arith.constant 0 : i32
      %dma_wait3A_83 = arith.constant 0 : i32
      %dma_wait3A_84 = tpu.memref_slice %arg11[%dma_wait3A_81, %dma_wait3A_82, %dma_wait3A_83] : memref<5x80x128xbf16, #tpu.memory_space<vmem>> -> memref<1x80x128xbf16, #tpu.memory_space<vmem>>
      %dma_wait3A_85 = tpu.memref_squeeze %dma_wait3A_84 : memref<1x80x128xbf16, #tpu.memory_space<vmem>> -> memref<80x128xbf16, #tpu.memory_space<vmem>>
      %dma_wait3A_86 = arith.constant 0 : i32
      %dma_wait3A_87 = tpu.memref_slice %arg9[%add3A_80, %dma_wait3A_86] : memref<125x80xi32, #tpu.memory_space<vmem>> -> memref<1x80xi32, #tpu.memory_space<vmem>>
      %dma_wait3A_88 = tpu.memref_squeeze %dma_wait3A_87 : memref<1x80xi32, #tpu.memory_space<vmem>> -> memref<80xi32, #tpu.memory_space<vmem>>
      %dma_wait3A_89 = arith.constant 0 : i32
      %dma_wait3A_90 = arith.constant 0 : i32
      %dma_wait3A_91 = tpu.memref_slice %arg2[%dma_wait3A_89, %dma_wait3A_90] : memref<10000x128xbf16, #tpu.memory_space<hbm>> -> memref<10000x128xbf16, #tpu.memory_space<hbm>>
      tpu.wait_indirect_dma semaphore(%arg14 : memref<!tpu.dma_semaphore, #tpu.memory_space<semaphore_mem>>) src(%dma_wait3A_91 : memref<10000x128xbf16, #tpu.memory_space<hbm>>) dst(%dma_wait3A_85 : memref<80x128xbf16, #tpu.memory_space<vmem>>)
      %run_scoped3A = arith.constant 0 : i32
      "tpu.region"() ({
        %run_scoped3A_262 = tpu.sem_alloc : memref<!tpu.dma_semaphore, #tpu.memory_space<semaphore_mem>>
        %dma_start3A_263 = arith.constant 0 : i32
        %dma_start3A_264 = arith.constant 0 : i32
        %dma_start3A_265 = tpu.memref_slice %arg11[%run_scoped3A, %dma_start3A_263, %dma_start3A_264] : memref<5x80x128xbf16, #tpu.memory_space<vmem>> -> memref<1x80x128xbf16, #tpu.memory_space<vmem>>
        %dma_start3A_266 = tpu.memref_squeeze %dma_start3A_265 : memref<1x80x128xbf16, #tpu.memory_space<vmem>> -> memref<80x128xbf16, #tpu.memory_space<vmem>>
        %dma_start3A_267 = arith.constant 0 : i32
        %dma_start3A_268 = tpu.memref_slice %arg10[%add3A_80, %dma_start3A_267] : memref<125x80xi32, #tpu.memory_space<vmem>> -> memref<1x80xi32, #tpu.memory_space<vmem>>
        %dma_start3A_269 = tpu.memref_squeeze %dma_start3A_268 : memref<1x80xi32, #tpu.memory_space<vmem>> -> memref<80xi32, #tpu.memory_space<vmem>>
        %dma_start3A_270 = arith.constant 0 : i32
        %dma_start3A_271 = arith.constant 0 : i32
        %dma_start3A_272 = tpu.memref_slice %arg13[%dma_start3A_270, %dma_start3A_271] : memref<10000x128xbf16, #tpu.memory_space<vmem_shared>> -> memref<10000x128xbf16, #tpu.memory_space<vmem_shared>>
        tpu.enqueue_indirect_dma source(%dma_start3A_266 : memref<80x128xbf16, #tpu.memory_space<vmem>>) target(%dma_start3A_272 : memref<10000x128xbf16, #tpu.memory_space<vmem_shared>>) offsets(%dma_start3A_269 : memref<80xi32, #tpu.memory_space<vmem>>) semaphore(%run_scoped3A_262 : memref<!tpu.dma_semaphore, #tpu.memory_space<semaphore_mem>>) {add = true}
        %dma_wait3A_273 = arith.constant 0 : i32
        %dma_wait3A_274 = arith.constant 0 : i32
        %dma_wait3A_275 = tpu.memref_slice %arg11[%run_scoped3A, %dma_wait3A_273, %dma_wait3A_274] : memref<5x80x128xbf16, #tpu.memory_space<vmem>> -> memref<1x80x128xbf16, #tpu.memory_space<vmem>>
        %dma_wait3A_276 = tpu.memref_squeeze %dma_wait3A_275 : memref<1x80x128xbf16, #tpu.memory_space<vmem>> -> memref<80x128xbf16, #tpu.memory_space<vmem>>
        %dma_wait3A_277 = arith.constant 0 : i32
        %dma_wait3A_278 = tpu.memref_slice %arg10[%add3A_80, %dma_wait3A_277] : memref<125x80xi32, #tpu.memory_space<vmem>> -> memref<1x80xi32, #tpu.memory_space<vmem>>
        %dma_wait3A_279 = tpu.memref_squeeze %dma_wait3A_278 : memref<1x80xi32, #tpu.memory_space<vmem>> -> memref<80xi32, #tpu.memory_space<vmem>>
        %dma_wait3A_280 = arith.constant 0 : i32
        %dma_wait3A_281 = arith.constant 0 : i32
        %dma_wait3A_282 = tpu.memref_slice %arg13[%dma_wait3A_280, %dma_wait3A_281] : memref<10000x128xbf16, #tpu.memory_space<vmem_shared>> -> memref<10000x128xbf16, #tpu.memory_space<vmem_shared>>
        tpu.wait_indirect_dma semaphore(%run_scoped3A_262 : memref<!tpu.dma_semaphore, #tpu.memory_space<semaphore_mem>>) src(%dma_wait3A_276 : memref<80x128xbf16, #tpu.memory_space<vmem>>) dst(%dma_wait3A_282 : memref<10000x128xbf16, #tpu.memory_space<vmem_shared>>)
        tpu.yield
      }) : () -> ()
      %add3A_92 = arith.constant 5 : i32
      %add3A_93 = arith.addi %add3A_80, %add3A_92 : i32
      %lt3A = arith.constant 125 : i32
      %lt3A_94 = arith.cmpi slt, %add3A_93, %lt3A : i32
      %convert_element_type3A = arith.extui %lt3A_94 : i1 to i32
      %cond3A = arith.constant 0 : i32
      %cond3A_95 = arith.cmpi ne, %convert_element_type3A, %cond3A : i32
      scf.if %cond3A_95 {
        %add3A_262 = arith.constant 5 : i32
        %add3A_263 = arith.addi %add3A_80, %add3A_262 : i32
        %dma_start3A_264 = arith.constant 0 : i32
        %dma_start3A_265 = arith.constant 0 : i32
        %dma_start3A_266 = arith.constant 0 : i32
        %dma_start3A_267 = tpu.memref_slice %arg11[%dma_start3A_264, %dma_start3A_265, %dma_start3A_266] : memref<5x80x128xbf16, #tpu.memory_space<vmem>> -> memref<1x80x128xbf16, #tpu.memory_space<vmem>>
        %dma_start3A_268 = tpu.memref_squeeze %dma_start3A_267 : memref<1x80x128xbf16, #tpu.memory_space<vmem>> -> memref<80x128xbf16, #tpu.memory_space<vmem>>
        %dma_start3A_269 = arith.constant 0 : i32
        %dma_start3A_270 = tpu.memref_slice %arg9[%add3A_263, %dma_start3A_269] : memref<125x80xi32, #tpu.memory_space<vmem>> -> memref<1x80xi32, #tpu.memory_space<vmem>>
        %dma_start3A_271 = tpu.memref_squeeze %dma_start3A_270 : memref<1x80xi32, #tpu.memory_space<vmem>> -> memref<80xi32, #tpu.memory_space<vmem>>
        %dma_start3A_272 = arith.constant 0 : i32
        %dma_start3A_273 = arith.constant 0 : i32
        %dma_start3A_274 = tpu.memref_slice %arg2[%dma_start3A_272, %dma_start3A_273] : memref<10000x128xbf16, #tpu.memory_space<hbm>> -> memref<10000x128xbf16, #tpu.memory_space<hbm>>
        tpu.enqueue_indirect_dma source(%dma_start3A_274 : memref<10000x128xbf16, #tpu.memory_space<hbm>>) target(%dma_start3A_268 : memref<80x128xbf16, #tpu.memory_space<vmem>>) offsets(%dma_start3A_271 : memref<80xi32, #tpu.memory_space<vmem>>) semaphore(%arg14 : memref<!tpu.dma_semaphore, #tpu.memory_space<semaphore_mem>>)
      } else {
      }
      %get3A = arith.index_cast %add3A_80 : i32 to index
      %get3A_96 = arith.constant 0 : index
      %get3A_97 = tpu.vector_load %arg10[%get3A, %get3A_96] {strides = array<i32>} : memref<125x80xi32, #tpu.memory_space<vmem>>, vector<16xi32>,
      tpu.vector_store_idx %arg12[%get3A_97], %broadcast_in_dim3A_1 {add = true} : memref<10000xf32, #tpu.memory_space<vmem>>[vector<16xi32>], vector<16xf32>,
      %get3A_98 = arith.index_cast %add3A_80 : i32 to index
      %get3A_99 = arith.constant 16 : index
      %get3A_100 = tpu.vector_load %arg10[%get3A_98, %get3A_99] {strides = array<i32>} : memref<125x80xi32, #tpu.memory_space<vmem>>, vector<16xi32>,
      tpu.vector_store_idx %arg12[%get3A_100], %broadcast_in_dim3A_1 {add = true} : memref<10000xf32, #tpu.memory_space<vmem>>[vector<16xi32>], vector<16xf32>,
      %get3A_101 = arith.index_cast %add3A_80 : i32 to index
      %get3A_102 = arith.constant 32 : index
      %get3A_103 = tpu.vector_load %arg10[%get3A_101, %get3A_102] {strides = array<i32>} : memref<125x80xi32, #tpu.memory_space<vmem>>, vector<16xi32>,
      tpu.vector_store_idx %arg12[%get3A_103], %broadcast_in_dim3A_1 {add = true} : memref<10000xf32, #tpu.memory_space<vmem>>[vector<16xi32>], vector<16xf32>,
      %get3A_104 = arith.index_cast %add3A_80 : i32 to index
      %get3A_105 = arith.constant 48 : index
      %get3A_106 = tpu.vector_load %arg10[%get3A_104, %get3A_105] {strides = array<i32>} : memref<125x80xi32, #tpu.memory_space<vmem>>, vector<16xi32>,
      tpu.vector_store_idx %arg12[%get3A_106], %broadcast_in_dim3A_1 {add = true} : memref<10000xf32, #tpu.memory_space<vmem>>[vector<16xi32>], vector<16xf32>,
      %get3A_107 = arith.index_cast %add3A_80 : i32 to index
      %get3A_108 = arith.constant 64 : index
      %get3A_109 = tpu.vector_load %arg10[%get3A_107, %get3A_108] {strides = array<i32>} : memref<125x80xi32, #tpu.memory_space<vmem>>, vector<16xi32>,
      tpu.vector_store_idx %arg12[%get3A_109], %broadcast_in_dim3A_1 {add = true} : memref<10000xf32, #tpu.memory_space<vmem>>[vector<16xi32>], vector<16xf32>,
      %mul3A_110 = arith.constant 5 : i32
      %mul3A_111 = arith.muli %scan3A_76, %mul3A_110 : i32
      %add3A_112 = arith.constant 1 : i32
      %add3A_113 = arith.addi %mul3A_111, %add3A_112 : i32
      %dma_wait3A_114 = arith.constant 1 : i32
      %dma_wait3A_115 = arith.constant 0 : i32
      %dma_wait3A_116 = arith.constant 0 : i32
      %dma_wait3A_117 = tpu.memref_slice %arg11[%dma_wait3A_114, %dma_wait3A_115, %dma_wait3A_116] : memref<5x80x128xbf16, #tpu.memory_space<vmem>> -> memref<1x80x128xbf16, #tpu.memory_space<vmem>>
      %dma_wait3A_118 = tpu.memref_squeeze %dma_wait3A_117 : memref<1x80x128xbf16, #tpu.memory_space<vmem>> -> memref<80x128xbf16, #tpu.memory_space<vmem>>
      %dma_wait3A_119 = arith.constant 0 : i32
      %dma_wait3A_120 = tpu.memref_slice %arg9[%add3A_113, %dma_wait3A_119] : memref<125x80xi32, #tpu.memory_space<vmem>> -> memref<1x80xi32, #tpu.memory_space<vmem>>
      %dma_wait3A_121 = tpu.memref_squeeze %dma_wait3A_120 : memref<1x80xi32, #tpu.memory_space<vmem>> -> memref<80xi32, #tpu.memory_space<vmem>>
      %dma_wait3A_122 = arith.constant 0 : i32
      %dma_wait3A_123 = arith.constant 0 : i32
      %dma_wait3A_124 = tpu.memref_slice %arg2[%dma_wait3A_122, %dma_wait3A_123] : memref<10000x128xbf16, #tpu.memory_space<hbm>> -> memref<10000x128xbf16, #tpu.memory_space<hbm>>
      tpu.wait_indirect_dma semaphore(%arg15 : memref<!tpu.dma_semaphore, #tpu.memory_space<semaphore_mem>>) src(%dma_wait3A_124 : memref<10000x128xbf16, #tpu.memory_space<hbm>>) dst(%dma_wait3A_118 : memref<80x128xbf16, #tpu.memory_space<vmem>>)
      %run_scoped3A_125 = arith.constant 1 : i32
      "tpu.region"() ({
        %run_scoped3A_262 = tpu.sem_alloc : memref<!tpu.dma_semaphore, #tpu.memory_space<semaphore_mem>>
        %dma_start3A_263 = arith.constant 0 : i32
        %dma_start3A_264 = arith.constant 0 : i32
        %dma_start3A_265 = tpu.memref_slice %arg11[%run_scoped3A_125, %dma_start3A_263, %dma_start3A_264] : memref<5x80x128xbf16, #tpu.memory_space<vmem>> -> memref<1x80x128xbf16, #tpu.memory_space<vmem>>
        %dma_start3A_266 = tpu.memref_squeeze %dma_start3A_265 : memref<1x80x128xbf16, #tpu.memory_space<vmem>> -> memref<80x128xbf16, #tpu.memory_space<vmem>>
        %dma_start3A_267 = arith.constant 0 : i32
        %dma_start3A_268 = tpu.memref_slice %arg10[%add3A_113, %dma_start3A_267] : memref<125x80xi32, #tpu.memory_space<vmem>> -> memref<1x80xi32, #tpu.memory_space<vmem>>
        %dma_start3A_269 = tpu.memref_squeeze %dma_start3A_268 : memref<1x80xi32, #tpu.memory_space<vmem>> -> memref<80xi32, #tpu.memory_space<vmem>>
        %dma_start3A_270 = arith.constant 0 : i32
        %dma_start3A_271 = arith.constant 0 : i32
        %dma_start3A_272 = tpu.memref_slice %arg13[%dma_start3A_270, %dma_start3A_271] : memref<10000x128xbf16, #tpu.memory_space<vmem_shared>> -> memref<10000x128xbf16, #tpu.memory_space<vmem_shared>>
        tpu.enqueue_indirect_dma source(%dma_start3A_266 : memref<80x128xbf16, #tpu.memory_space<vmem>>) target(%dma_start3A_272 : memref<10000x128xbf16, #tpu.memory_space<vmem_shared>>) offsets(%dma_start3A_269 : memref<80xi32, #tpu.memory_space<vmem>>) semaphore(%run_scoped3A_262 : memref<!tpu.dma_semaphore, #tpu.memory_space<semaphore_mem>>) {add = true}
        %dma_wait3A_273 = arith.constant 0 : i32
        %dma_wait3A_274 = arith.constant 0 : i32
        %dma_wait3A_275 = tpu.memref_slice %arg11[%run_scoped3A_125, %dma_wait3A_273, %dma_wait3A_274] : memref<5x80x128xbf16, #tpu.memory_space<vmem>> -> memref<1x80x128xbf16, #tpu.memory_space<vmem>>
        %dma_wait3A_276 = tpu.memref_squeeze %dma_wait3A_275 : memref<1x80x128xbf16, #tpu.memory_space<vmem>> -> memref<80x128xbf16, #tpu.memory_space<vmem>>
        %dma_wait3A_277 = arith.constant 0 : i32
        %dma_wait3A_278 = tpu.memref_slice %arg10[%add3A_113, %dma_wait3A_277] : memref<125x80xi32, #tpu.memory_space<vmem>> -> memref<1x80xi32, #tpu.memory_space<vmem>>
        %dma_wait3A_279 = tpu.memref_squeeze %dma_wait3A_278 : memref<1x80xi32, #tpu.memory_space<vmem>> -> memref<80xi32, #tpu.memory_space<vmem>>
        %dma_wait3A_280 = arith.constant 0 : i32
        %dma_wait3A_281 = arith.constant 0 : i32
        %dma_wait3A_282 = tpu.memref_slice %arg13[%dma_wait3A_280, %dma_wait3A_281] : memref<10000x128xbf16, #tpu.memory_space<vmem_shared>> -> memref<10000x128xbf16, #tpu.memory_space<vmem_shared>>
        tpu.wait_indirect_dma semaphore(%run_scoped3A_262 : memref<!tpu.dma_semaphore, #tpu.memory_space<semaphore_mem>>) src(%dma_wait3A_276 : memref<80x128xbf16, #tpu.memory_space<vmem>>) dst(%dma_wait3A_282 : memref<10000x128xbf16, #tpu.memory_space<vmem_shared>>)
        tpu.yield
      }) : () -> ()
      %add3A_126 = arith.constant 5 : i32
      %add3A_127 = arith.addi %add3A_113, %add3A_126 : i32
      %lt3A_128 = arith.constant 125 : i32
      %lt3A_129 = arith.cmpi slt, %add3A_127, %lt3A_128 : i32
      %convert_element_type3A_130 = arith.extui %lt3A_129 : i1 to i32
      %cond3A_131 = arith.constant 0 : i32
      %cond3A_132 = arith.cmpi ne, %convert_element_type3A_130, %cond3A_131 : i32
      scf.if %cond3A_132 {
        %add3A_262 = arith.constant 5 : i32
        %add3A_263 = arith.addi %add3A_113, %add3A_262 : i32
        %dma_start3A_264 = arith.constant 1 : i32
        %dma_start3A_265 = arith.constant 0 : i32
        %dma_start3A_266 = arith.constant 0 : i32
        %dma_start3A_267 = tpu.memref_slice %arg11[%dma_start3A_264, %dma_start3A_265, %dma_start3A_266] : memref<5x80x128xbf16, #tpu.memory_space<vmem>> -> memref<1x80x128xbf16, #tpu.memory_space<vmem>>
        %dma_start3A_268 = tpu.memref_squeeze %dma_start3A_267 : memref<1x80x128xbf16, #tpu.memory_space<vmem>> -> memref<80x128xbf16, #tpu.memory_space<vmem>>
        %dma_start3A_269 = arith.constant 0 : i32
        %dma_start3A_270 = tpu.memref_slice %arg9[%add3A_263, %dma_start3A_269] : memref<125x80xi32, #tpu.memory_space<vmem>> -> memref<1x80xi32, #tpu.memory_space<vmem>>
        %dma_start3A_271 = tpu.memref_squeeze %dma_start3A_270 : memref<1x80xi32, #tpu.memory_space<vmem>> -> memref<80xi32, #tpu.memory_space<vmem>>
        %dma_start3A_272 = arith.constant 0 : i32
        %dma_start3A_273 = arith.constant 0 : i32
        %dma_start3A_274 = tpu.memref_slice %arg2[%dma_start3A_272, %dma_start3A_273] : memref<10000x128xbf16, #tpu.memory_space<hbm>> -> memref<10000x128xbf16, #tpu.memory_space<hbm>>
        tpu.enqueue_indirect_dma source(%dma_start3A_274 : memref<10000x128xbf16, #tpu.memory_space<hbm>>) target(%dma_start3A_268 : memref<80x128xbf16, #tpu.memory_space<vmem>>) offsets(%dma_start3A_271 : memref<80xi32, #tpu.memory_space<vmem>>) semaphore(%arg15 : memref<!tpu.dma_semaphore, #tpu.memory_space<semaphore_mem>>)
      } else {
      }
      %get3A_133 = arith.index_cast %add3A_113 : i32 to index
      %get3A_134 = arith.constant 0 : index
      %get3A_135 = tpu.vector_load %arg10[%get3A_133, %get3A_134] {strides = array<i32>} : memref<125x80xi32, #tpu.memory_space<vmem>>, vector<16xi32>,
      tpu.vector_store_idx %arg12[%get3A_135], %broadcast_in_dim3A_1 {add = true} : memref<10000xf32, #tpu.memory_space<vmem>>[vector<16xi32>], vector<16xf32>,
      %get3A_136 = arith.index_cast %add3A_113 : i32 to index
      %get3A_137 = arith.constant 16 : index
      %get3A_138 = tpu.vector_load %arg10[%get3A_136, %get3A_137] {strides = array<i32>} : memref<125x80xi32, #tpu.memory_space<vmem>>, vector<16xi32>,
      tpu.vector_store_idx %arg12[%get3A_138], %broadcast_in_dim3A_1 {add = true} : memref<10000xf32, #tpu.memory_space<vmem>>[vector<16xi32>], vector<16xf32>,
      %get3A_139 = arith.index_cast %add3A_113 : i32 to index
      %get3A_140 = arith.constant 32 : index
      %get3A_141 = tpu.vector_load %arg10[%get3A_139, %get3A_140] {strides = array<i32>} : memref<125x80xi32, #tpu.memory_space<vmem>>, vector<16xi32>,
      tpu.vector_store_idx %arg12[%get3A_141], %broadcast_in_dim3A_1 {add = true} : memref<10000xf32, #tpu.memory_space<vmem>>[vector<16xi32>], vector<16xf32>,
      %get3A_142 = arith.index_cast %add3A_113 : i32 to index
      %get3A_143 = arith.constant 48 : index
      %get3A_144 = tpu.vector_load %arg10[%get3A_142, %get3A_143] {strides = array<i32>} : memref<125x80xi32, #tpu.memory_space<vmem>>, vector<16xi32>,
      tpu.vector_store_idx %arg12[%get3A_144], %broadcast_in_dim3A_1 {add = true} : memref<10000xf32, #tpu.memory_space<vmem>>[vector<16xi32>], vector<16xf32>,
      %get3A_145 = arith.index_cast %add3A_113 : i32 to index
      %get3A_146 = arith.constant 64 : index
      %get3A_147 = tpu.vector_load %arg10[%get3A_145, %get3A_146] {strides = array<i32>} : memref<125x80xi32, #tpu.memory_space<vmem>>, vector<16xi32>,
      tpu.vector_store_idx %arg12[%get3A_147], %broadcast_in_dim3A_1 {add = true} : memref<10000xf32, #tpu.memory_space<vmem>>[vector<16xi32>], vector<16xf32>,
      %mul3A_148 = arith.constant 5 : i32
      %mul3A_149 = arith.muli %scan3A_76, %mul3A_148 : i32
      %add3A_150 = arith.constant 2 : i32
      %add3A_151 = arith.addi %mul3A_149, %add3A_150 : i32
      %dma_wait3A_152 = arith.constant 2 : i32
      %dma_wait3A_153 = arith.constant 0 : i32
      %dma_wait3A_154 = arith.constant 0 : i32
      %dma_wait3A_155 = tpu.memref_slice %arg11[%dma_wait3A_152, %dma_wait3A_153, %dma_wait3A_154] : memref<5x80x128xbf16, #tpu.memory_space<vmem>> -> memref<1x80x128xbf16, #tpu.memory_space<vmem>>
      %dma_wait3A_156 = tpu.memref_squeeze %dma_wait3A_155 : memref<1x80x128xbf16, #tpu.memory_space<vmem>> -> memref<80x128xbf16, #tpu.memory_space<vmem>>
      %dma_wait3A_157 = arith.constant 0 : i32
      %dma_wait3A_158 = tpu.memref_slice %arg9[%add3A_151, %dma_wait3A_157] : memref<125x80xi32, #tpu.memory_space<vmem>> -> memref<1x80xi32, #tpu.memory_space<vmem>>
      %dma_wait3A_159 = tpu.memref_squeeze %dma_wait3A_158 : memref<1x80xi32, #tpu.memory_space<vmem>> -> memref<80xi32, #tpu.memory_space<vmem>>
      %dma_wait3A_160 = arith.constant 0 : i32
      %dma_wait3A_161 = arith.constant 0 : i32
      %dma_wait3A_162 = tpu.memref_slice %arg2[%dma_wait3A_160, %dma_wait3A_161] : memref<10000x128xbf16, #tpu.memory_space<hbm>> -> memref<10000x128xbf16, #tpu.memory_space<hbm>>
      tpu.wait_indirect_dma semaphore(%arg16 : memref<!tpu.dma_semaphore, #tpu.memory_space<semaphore_mem>>) src(%dma_wait3A_162 : memref<10000x128xbf16, #tpu.memory_space<hbm>>) dst(%dma_wait3A_156 : memref<80x128xbf16, #tpu.memory_space<vmem>>)
      %run_scoped3A_163 = arith.constant 2 : i32
      "tpu.region"() ({
        %run_scoped3A_262 = tpu.sem_alloc : memref<!tpu.dma_semaphore, #tpu.memory_space<semaphore_mem>>
        %dma_start3A_263 = arith.constant 0 : i32
        %dma_start3A_264 = arith.constant 0 : i32
        %dma_start3A_265 = tpu.memref_slice %arg11[%run_scoped3A_163, %dma_start3A_263, %dma_start3A_264] : memref<5x80x128xbf16, #tpu.memory_space<vmem>> -> memref<1x80x128xbf16, #tpu.memory_space<vmem>>
        %dma_start3A_266 = tpu.memref_squeeze %dma_start3A_265 : memref<1x80x128xbf16, #tpu.memory_space<vmem>> -> memref<80x128xbf16, #tpu.memory_space<vmem>>
        %dma_start3A_267 = arith.constant 0 : i32
        %dma_start3A_268 = tpu.memref_slice %arg10[%add3A_151, %dma_start3A_267] : memref<125x80xi32, #tpu.memory_space<vmem>> -> memref<1x80xi32, #tpu.memory_space<vmem>>
        %dma_start3A_269 = tpu.memref_squeeze %dma_start3A_268 : memref<1x80xi32, #tpu.memory_space<vmem>> -> memref<80xi32, #tpu.memory_space<vmem>>
        %dma_start3A_270 = arith.constant 0 : i32
        %dma_start3A_271 = arith.constant 0 : i32
        %dma_start3A_272 = tpu.memref_slice %arg13[%dma_start3A_270, %dma_start3A_271] : memref<10000x128xbf16, #tpu.memory_space<vmem_shared>> -> memref<10000x128xbf16, #tpu.memory_space<vmem_shared>>
        tpu.enqueue_indirect_dma source(%dma_start3A_266 : memref<80x128xbf16, #tpu.memory_space<vmem>>) target(%dma_start3A_272 : memref<10000x128xbf16, #tpu.memory_space<vmem_shared>>) offsets(%dma_start3A_269 : memref<80xi32, #tpu.memory_space<vmem>>) semaphore(%run_scoped3A_262 : memref<!tpu.dma_semaphore, #tpu.memory_space<semaphore_mem>>) {add = true}
        %dma_wait3A_273 = arith.constant 0 : i32
        %dma_wait3A_274 = arith.constant 0 : i32
        %dma_wait3A_275 = tpu.memref_slice %arg11[%run_scoped3A_163, %dma_wait3A_273, %dma_wait3A_274] : memref<5x80x128xbf16, #tpu.memory_space<vmem>> -> memref<1x80x128xbf16, #tpu.memory_space<vmem>>
        %dma_wait3A_276 = tpu.memref_squeeze %dma_wait3A_275 : memref<1x80x128xbf16, #tpu.memory_space<vmem>> -> memref<80x128xbf16, #tpu.memory_space<vmem>>
        %dma_wait3A_277 = arith.constant 0 : i32
        %dma_wait3A_278 = tpu.memref_slice %arg10[%add3A_151, %dma_wait3A_277] : memref<125x80xi32, #tpu.memory_space<vmem>> -> memref<1x80xi32, #tpu.memory_space<vmem>>
        %dma_wait3A_279 = tpu.memref_squeeze %dma_wait3A_278 : memref<1x80xi32, #tpu.memory_space<vmem>> -> memref<80xi32, #tpu.memory_space<vmem>>
        %dma_wait3A_280 = arith.constant 0 : i32
        %dma_wait3A_281 = arith.constant 0 : i32
        %dma_wait3A_282 = tpu.memref_slice %arg13[%dma_wait3A_280, %dma_wait3A_281] : memref<10000x128xbf16, #tpu.memory_space<vmem_shared>> -> memref<10000x128xbf16, #tpu.memory_space<vmem_shared>>
        tpu.wait_indirect_dma semaphore(%run_scoped3A_262 : memref<!tpu.dma_semaphore, #tpu.memory_space<semaphore_mem>>) src(%dma_wait3A_276 : memref<80x128xbf16, #tpu.memory_space<vmem>>) dst(%dma_wait3A_282 : memref<10000x128xbf16, #tpu.memory_space<vmem_shared>>)
        tpu.yield
      }) : () -> ()
      %add3A_164 = arith.constant 5 : i32
      %add3A_165 = arith.addi %add3A_151, %add3A_164 : i32
      %lt3A_166 = arith.constant 125 : i32
      %lt3A_167 = arith.cmpi slt, %add3A_165, %lt3A_166 : i32
      %convert_element_type3A_168 = arith.extui %lt3A_167 : i1 to i32
      %cond3A_169 = arith.constant 0 : i32
      %cond3A_170 = arith.cmpi ne, %convert_element_type3A_168, %cond3A_169 : i32
      scf.if %cond3A_170 {
        %add3A_262 = arith.constant 5 : i32
        %add3A_263 = arith.addi %add3A_151, %add3A_262 : i32
        %dma_start3A_264 = arith.constant 2 : i32
        %dma_start3A_265 = arith.constant 0 : i32
        %dma_start3A_266 = arith.constant 0 : i32
        %dma_start3A_267 = tpu.memref_slice %arg11[%dma_start3A_264, %dma_start3A_265, %dma_start3A_266] : memref<5x80x128xbf16, #tpu.memory_space<vmem>> -> memref<1x80x128xbf16, #tpu.memory_space<vmem>>
        %dma_start3A_268 = tpu.memref_squeeze %dma_start3A_267 : memref<1x80x128xbf16, #tpu.memory_space<vmem>> -> memref<80x128xbf16, #tpu.memory_space<vmem>>
        %dma_start3A_269 = arith.constant 0 : i32
        %dma_start3A_270 = tpu.memref_slice %arg9[%add3A_263, %dma_start3A_269] : memref<125x80xi32, #tpu.memory_space<vmem>> -> memref<1x80xi32, #tpu.memory_space<vmem>>
        %dma_start3A_271 = tpu.memref_squeeze %dma_start3A_270 : memref<1x80xi32, #tpu.memory_space<vmem>> -> memref<80xi32, #tpu.memory_space<vmem>>
        %dma_start3A_272 = arith.constant 0 : i32
        %dma_start3A_273 = arith.constant 0 : i32
        %dma_start3A_274 = tpu.memref_slice %arg2[%dma_start3A_272, %dma_start3A_273] : memref<10000x128xbf16, #tpu.memory_space<hbm>> -> memref<10000x128xbf16, #tpu.memory_space<hbm>>
        tpu.enqueue_indirect_dma source(%dma_start3A_274 : memref<10000x128xbf16, #tpu.memory_space<hbm>>) target(%dma_start3A_268 : memref<80x128xbf16, #tpu.memory_space<vmem>>) offsets(%dma_start3A_271 : memref<80xi32, #tpu.memory_space<vmem>>) semaphore(%arg16 : memref<!tpu.dma_semaphore, #tpu.memory_space<semaphore_mem>>)
      } else {
      }
      %get3A_171 = arith.index_cast %add3A_151 : i32 to index
      %get3A_172 = arith.constant 0 : index
      %get3A_173 = tpu.vector_load %arg10[%get3A_171, %get3A_172] {strides = array<i32>} : memref<125x80xi32, #tpu.memory_space<vmem>>, vector<16xi32>,
      tpu.vector_store_idx %arg12[%get3A_173], %broadcast_in_dim3A_1 {add = true} : memref<10000xf32, #tpu.memory_space<vmem>>[vector<16xi32>], vector<16xf32>,
      %get3A_174 = arith.index_cast %add3A_151 : i32 to index
      %get3A_175 = arith.constant 16 : index
      %get3A_176 = tpu.vector_load %arg10[%get3A_174, %get3A_175] {strides = array<i32>} : memref<125x80xi32, #tpu.memory_space<vmem>>, vector<16xi32>,
      tpu.vector_store_idx %arg12[%get3A_176], %broadcast_in_dim3A_1 {add = true} : memref<10000xf32, #tpu.memory_space<vmem>>[vector<16xi32>], vector<16xf32>,
      %get3A_177 = arith.index_cast %add3A_151 : i32 to index
      %get3A_178 = arith.constant 32 : index
      %get3A_179 = tpu.vector_load %arg10[%get3A_177, %get3A_178] {strides = array<i32>} : memref<125x80xi32, #tpu.memory_space<vmem>>, vector<16xi32>,
      tpu.vector_store_idx %arg12[%get3A_179], %broadcast_in_dim3A_1 {add = true} : memref<10000xf32, #tpu.memory_space<vmem>>[vector<16xi32>], vector<16xf32>,
      %get3A_180 = arith.index_cast %add3A_151 : i32 to index
      %get3A_181 = arith.constant 48 : index
      %get3A_182 = tpu.vector_load %arg10[%get3A_180, %get3A_181] {strides = array<i32>} : memref<125x80xi32, #tpu.memory_space<vmem>>, vector<16xi32>,
      tpu.vector_store_idx %arg12[%get3A_182], %broadcast_in_dim3A_1 {add = true} : memref<10000xf32, #tpu.memory_space<vmem>>[vector<16xi32>], vector<16xf32>,
      %get3A_183 = arith.index_cast %add3A_151 : i32 to index
      %get3A_184 = arith.constant 64 : index
      %get3A_185 = tpu.vector_load %arg10[%get3A_183, %get3A_184] {strides = array<i32>} : memref<125x80xi32, #tpu.memory_space<vmem>>, vector<16xi32>,
      tpu.vector_store_idx %arg12[%get3A_185], %broadcast_in_dim3A_1 {add = true} : memref<10000xf32, #tpu.memory_space<vmem>>[vector<16xi32>], vector<16xf32>,
      %mul3A_186 = arith.constant 5 : i32
      %mul3A_187 = arith.muli %scan3A_76, %mul3A_186 : i32
      %add3A_188 = arith.constant 3 : i32
      %add3A_189 = arith.addi %mul3A_187, %add3A_188 : i32
      %dma_wait3A_190 = arith.constant 3 : i32
      %dma_wait3A_191 = arith.constant 0 : i32
      %dma_wait3A_192 = arith.constant 0 : i32
      %dma_wait3A_193 = tpu.memref_slice %arg11[%dma_wait3A_190, %dma_wait3A_191, %dma_wait3A_192] : memref<5x80x128xbf16, #tpu.memory_space<vmem>> -> memref<1x80x128xbf16, #tpu.memory_space<vmem>>
      %dma_wait3A_194 = tpu.memref_squeeze %dma_wait3A_193 : memref<1x80x128xbf16, #tpu.memory_space<vmem>> -> memref<80x128xbf16, #tpu.memory_space<vmem>>
      %dma_wait3A_195 = arith.constant 0 : i32
      %dma_wait3A_196 = tpu.memref_slice %arg9[%add3A_189, %dma_wait3A_195] : memref<125x80xi32, #tpu.memory_space<vmem>> -> memref<1x80xi32, #tpu.memory_space<vmem>>
      %dma_wait3A_197 = tpu.memref_squeeze %dma_wait3A_196 : memref<1x80xi32, #tpu.memory_space<vmem>> -> memref<80xi32, #tpu.memory_space<vmem>>
      %dma_wait3A_198 = arith.constant 0 : i32
      %dma_wait3A_199 = arith.constant 0 : i32
      %dma_wait3A_200 = tpu.memref_slice %arg2[%dma_wait3A_198, %dma_wait3A_199] : memref<10000x128xbf16, #tpu.memory_space<hbm>> -> memref<10000x128xbf16, #tpu.memory_space<hbm>>
      tpu.wait_indirect_dma semaphore(%arg17 : memref<!tpu.dma_semaphore, #tpu.memory_space<semaphore_mem>>) src(%dma_wait3A_200 : memref<10000x128xbf16, #tpu.memory_space<hbm>>) dst(%dma_wait3A_194 : memref<80x128xbf16, #tpu.memory_space<vmem>>)
      %run_scoped3A_201 = arith.constant 3 : i32
      "tpu.region"() ({
        %run_scoped3A_262 = tpu.sem_alloc : memref<!tpu.dma_semaphore, #tpu.memory_space<semaphore_mem>>
        %dma_start3A_263 = arith.constant 0 : i32
        %dma_start3A_264 = arith.constant 0 : i32
        %dma_start3A_265 = tpu.memref_slice %arg11[%run_scoped3A_201, %dma_start3A_263, %dma_start3A_264] : memref<5x80x128xbf16, #tpu.memory_space<vmem>> -> memref<1x80x128xbf16, #tpu.memory_space<vmem>>
        %dma_start3A_266 = tpu.memref_squeeze %dma_start3A_265 : memref<1x80x128xbf16, #tpu.memory_space<vmem>> -> memref<80x128xbf16, #tpu.memory_space<vmem>>
        %dma_start3A_267 = arith.constant 0 : i32
        %dma_start3A_268 = tpu.memref_slice %arg10[%add3A_189, %dma_start3A_267] : memref<125x80xi32, #tpu.memory_space<vmem>> -> memref<1x80xi32, #tpu.memory_space<vmem>>
        %dma_start3A_269 = tpu.memref_squeeze %dma_start3A_268 : memref<1x80xi32, #tpu.memory_space<vmem>> -> memref<80xi32, #tpu.memory_space<vmem>>
        %dma_start3A_270 = arith.constant 0 : i32
        %dma_start3A_271 = arith.constant 0 : i32
        %dma_start3A_272 = tpu.memref_slice %arg13[%dma_start3A_270, %dma_start3A_271] : memref<10000x128xbf16, #tpu.memory_space<vmem_shared>> -> memref<10000x128xbf16, #tpu.memory_space<vmem_shared>>
        tpu.enqueue_indirect_dma source(%dma_start3A_266 : memref<80x128xbf16, #tpu.memory_space<vmem>>) target(%dma_start3A_272 : memref<10000x128xbf16, #tpu.memory_space<vmem_shared>>) offsets(%dma_start3A_269 : memref<80xi32, #tpu.memory_space<vmem>>) semaphore(%run_scoped3A_262 : memref<!tpu.dma_semaphore, #tpu.memory_space<semaphore_mem>>) {add = true}
        %dma_wait3A_273 = arith.constant 0 : i32
        %dma_wait3A_274 = arith.constant 0 : i32
        %dma_wait3A_275 = tpu.memref_slice %arg11[%run_scoped3A_201, %dma_wait3A_273, %dma_wait3A_274] : memref<5x80x128xbf16, #tpu.memory_space<vmem>> -> memref<1x80x128xbf16, #tpu.memory_space<vmem>>
        %dma_wait3A_276 = tpu.memref_squeeze %dma_wait3A_275 : memref<1x80x128xbf16, #tpu.memory_space<vmem>> -> memref<80x128xbf16, #tpu.memory_space<vmem>>
        %dma_wait3A_277 = arith.constant 0 : i32
        %dma_wait3A_278 = tpu.memref_slice %arg10[%add3A_189, %dma_wait3A_277] : memref<125x80xi32, #tpu.memory_space<vmem>> -> memref<1x80xi32, #tpu.memory_space<vmem>>
        %dma_wait3A_279 = tpu.memref_squeeze %dma_wait3A_278 : memref<1x80xi32, #tpu.memory_space<vmem>> -> memref<80xi32, #tpu.memory_space<vmem>>
        %dma_wait3A_280 = arith.constant 0 : i32
        %dma_wait3A_281 = arith.constant 0 : i32
        %dma_wait3A_282 = tpu.memref_slice %arg13[%dma_wait3A_280, %dma_wait3A_281] : memref<10000x128xbf16, #tpu.memory_space<vmem_shared>> -> memref<10000x128xbf16, #tpu.memory_space<vmem_shared>>
        tpu.wait_indirect_dma semaphore(%run_scoped3A_262 : memref<!tpu.dma_semaphore, #tpu.memory_space<semaphore_mem>>) src(%dma_wait3A_276 : memref<80x128xbf16, #tpu.memory_space<vmem>>) dst(%dma_wait3A_282 : memref<10000x128xbf16, #tpu.memory_space<vmem_shared>>)
        tpu.yield
      }) : () -> ()
      %add3A_202 = arith.constant 5 : i32
      %add3A_203 = arith.addi %add3A_189, %add3A_202 : i32
      %lt3A_204 = arith.constant 125 : i32
      %lt3A_205 = arith.cmpi slt, %add3A_203, %lt3A_204 : i32
      %convert_element_type3A_206 = arith.extui %lt3A_205 : i1 to i32
      %cond3A_207 = arith.constant 0 : i32
      %cond3A_208 = arith.cmpi ne, %convert_element_type3A_206, %cond3A_207 : i32
      scf.if %cond3A_208 {
        %add3A_262 = arith.constant 5 : i32
        %add3A_263 = arith.addi %add3A_189, %add3A_262 : i32
        %dma_start3A_264 = arith.constant 3 : i32
        %dma_start3A_265 = arith.constant 0 : i32
        %dma_start3A_266 = arith.constant 0 : i32
        %dma_start3A_267 = tpu.memref_slice %arg11[%dma_start3A_264, %dma_start3A_265, %dma_start3A_266] : memref<5x80x128xbf16, #tpu.memory_space<vmem>> -> memref<1x80x128xbf16, #tpu.memory_space<vmem>>
        %dma_start3A_268 = tpu.memref_squeeze %dma_start3A_267 : memref<1x80x128xbf16, #tpu.memory_space<vmem>> -> memref<80x128xbf16, #tpu.memory_space<vmem>>
        %dma_start3A_269 = arith.constant 0 : i32
        %dma_start3A_270 = tpu.memref_slice %arg9[%add3A_263, %dma_start3A_269] : memref<125x80xi32, #tpu.memory_space<vmem>> -> memref<1x80xi32, #tpu.memory_space<vmem>>
        %dma_start3A_271 = tpu.memref_squeeze %dma_start3A_270 : memref<1x80xi32, #tpu.memory_space<vmem>> -> memref<80xi32, #tpu.memory_space<vmem>>
        %dma_start3A_272 = arith.constant 0 : i32
        %dma_start3A_273 = arith.constant 0 : i32
        %dma_start3A_274 = tpu.memref_slice %arg2[%dma_start3A_272, %dma_start3A_273] : memref<10000x128xbf16, #tpu.memory_space<hbm>> -> memref<10000x128xbf16, #tpu.memory_space<hbm>>
        tpu.enqueue_indirect_dma source(%dma_start3A_274 : memref<10000x128xbf16, #tpu.memory_space<hbm>>) target(%dma_start3A_268 : memref<80x128xbf16, #tpu.memory_space<vmem>>) offsets(%dma_start3A_271 : memref<80xi32, #tpu.memory_space<vmem>>) semaphore(%arg17 : memref<!tpu.dma_semaphore, #tpu.memory_space<semaphore_mem>>)
      } else {
      }
      %get3A_209 = arith.index_cast %add3A_189 : i32 to index
      %get3A_210 = arith.constant 0 : index
      %get3A_211 = tpu.vector_load %arg10[%get3A_209, %get3A_210] {strides = array<i32>} : memref<125x80xi32, #tpu.memory_space<vmem>>, vector<16xi32>,
      tpu.vector_store_idx %arg12[%get3A_211], %broadcast_in_dim3A_1 {add = true} : memref<10000xf32, #tpu.memory_space<vmem>>[vector<16xi32>], vector<16xf32>,
      %get3A_212 = arith.index_cast %add3A_189 : i32 to index
      %get3A_213 = arith.constant 16 : index
      %get3A_214 = tpu.vector_load %arg10[%get3A_212, %get3A_213] {strides = array<i32>} : memref<125x80xi32, #tpu.memory_space<vmem>>, vector<16xi32>,
      tpu.vector_store_idx %arg12[%get3A_214], %broadcast_in_dim3A_1 {add = true} : memref<10000xf32, #tpu.memory_space<vmem>>[vector<16xi32>], vector<16xf32>,
      %get3A_215 = arith.index_cast %add3A_189 : i32 to index
      %get3A_216 = arith.constant 32 : index
      %get3A_217 = tpu.vector_load %arg10[%get3A_215, %get3A_216] {strides = array<i32>} : memref<125x80xi32, #tpu.memory_space<vmem>>, vector<16xi32>,
      tpu.vector_store_idx %arg12[%get3A_217], %broadcast_in_dim3A_1 {add = true} : memref<10000xf32, #tpu.memory_space<vmem>>[vector<16xi32>], vector<16xf32>,
      %get3A_218 = arith.index_cast %add3A_189 : i32 to index
      %get3A_219 = arith.constant 48 : index
      %get3A_220 = tpu.vector_load %arg10[%get3A_218, %get3A_219] {strides = array<i32>} : memref<125x80xi32, #tpu.memory_space<vmem>>, vector<16xi32>,
      tpu.vector_store_idx %arg12[%get3A_220], %broadcast_in_dim3A_1 {add = true} : memref<10000xf32, #tpu.memory_space<vmem>>[vector<16xi32>], vector<16xf32>,
      %get3A_221 = arith.index_cast %add3A_189 : i32 to index
      %get3A_222 = arith.constant 64 : index
      %get3A_223 = tpu.vector_load %arg10[%get3A_221, %get3A_222] {strides = array<i32>} : memref<125x80xi32, #tpu.memory_space<vmem>>, vector<16xi32>,
      tpu.vector_store_idx %arg12[%get3A_223], %broadcast_in_dim3A_1 {add = true} : memref<10000xf32, #tpu.memory_space<vmem>>[vector<16xi32>], vector<16xf32>,
      %mul3A_224 = arith.constant 5 : i32
      %mul3A_225 = arith.muli %scan3A_76, %mul3A_224 : i32
      %add3A_226 = arith.constant 4 : i32
      %add3A_227 = arith.addi %mul3A_225, %add3A_226 : i32
      %dma_wait3A_228 = arith.constant 4 : i32
      %dma_wait3A_229 = arith.constant 0 : i32
      %dma_wait3A_230 = arith.constant 0 : i32
      %dma_wait3A_231 = tpu.memref_slice %arg11[%dma_wait3A_228, %dma_wait3A_229, %dma_wait3A_230] : memref<5x80x128xbf16, #tpu.memory_space<vmem>> -> memref<1x80x128xbf16, #tpu.memory_space<vmem>>
      %dma_wait3A_232 = tpu.memref_squeeze %dma_wait3A_231 : memref<1x80x128xbf16, #tpu.memory_space<vmem>> -> memref<80x128xbf16, #tpu.memory_space<vmem>>
      %dma_wait3A_233 = arith.constant 0 : i32
      %dma_wait3A_234 = tpu.memref_slice %arg9[%add3A_227, %dma_wait3A_233] : memref<125x80xi32, #tpu.memory_space<vmem>> -> memref<1x80xi32, #tpu.memory_space<vmem>>
      %dma_wait3A_235 = tpu.memref_squeeze %dma_wait3A_234 : memref<1x80xi32, #tpu.memory_space<vmem>> -> memref<80xi32, #tpu.memory_space<vmem>>
      %dma_wait3A_236 = arith.constant 0 : i32
      %dma_wait3A_237 = arith.constant 0 : i32
      %dma_wait3A_238 = tpu.memref_slice %arg2[%dma_wait3A_236, %dma_wait3A_237] : memref<10000x128xbf16, #tpu.memory_space<hbm>> -> memref<10000x128xbf16, #tpu.memory_space<hbm>>
      tpu.wait_indirect_dma semaphore(%arg18 : memref<!tpu.dma_semaphore, #tpu.memory_space<semaphore_mem>>) src(%dma_wait3A_238 : memref<10000x128xbf16, #tpu.memory_space<hbm>>) dst(%dma_wait3A_232 : memref<80x128xbf16, #tpu.memory_space<vmem>>)
      %run_scoped3A_239 = arith.constant 4 : i32
      "tpu.region"() ({
        %run_scoped3A_262 = tpu.sem_alloc : memref<!tpu.dma_semaphore, #tpu.memory_space<semaphore_mem>>
        %dma_start3A_263 = arith.constant 0 : i32
        %dma_start3A_264 = arith.constant 0 : i32
        %dma_start3A_265 = tpu.memref_slice %arg11[%run_scoped3A_239, %dma_start3A_263, %dma_start3A_264] : memref<5x80x128xbf16, #tpu.memory_space<vmem>> -> memref<1x80x128xbf16, #tpu.memory_space<vmem>>
        %dma_start3A_266 = tpu.memref_squeeze %dma_start3A_265 : memref<1x80x128xbf16, #tpu.memory_space<vmem>> -> memref<80x128xbf16, #tpu.memory_space<vmem>>
        %dma_start3A_267 = arith.constant 0 : i32
        %dma_start3A_268 = tpu.memref_slice %arg10[%add3A_227, %dma_start3A_267] : memref<125x80xi32, #tpu.memory_space<vmem>> -> memref<1x80xi32, #tpu.memory_space<vmem>>
        %dma_start3A_269 = tpu.memref_squeeze %dma_start3A_268 : memref<1x80xi32, #tpu.memory_space<vmem>> -> memref<80xi32, #tpu.memory_space<vmem>>
        %dma_start3A_270 = arith.constant 0 : i32
        %dma_start3A_271 = arith.constant 0 : i32
        %dma_start3A_272 = tpu.memref_slice %arg13[%dma_start3A_270, %dma_start3A_271] : memref<10000x128xbf16, #tpu.memory_space<vmem_shared>> -> memref<10000x128xbf16, #tpu.memory_space<vmem_shared>>
        tpu.enqueue_indirect_dma source(%dma_start3A_266 : memref<80x128xbf16, #tpu.memory_space<vmem>>) target(%dma_start3A_272 : memref<10000x128xbf16, #tpu.memory_space<vmem_shared>>) offsets(%dma_start3A_269 : memref<80xi32, #tpu.memory_space<vmem>>) semaphore(%run_scoped3A_262 : memref<!tpu.dma_semaphore, #tpu.memory_space<semaphore_mem>>) {add = true}
        %dma_wait3A_273 = arith.constant 0 : i32
        %dma_wait3A_274 = arith.constant 0 : i32
        %dma_wait3A_275 = tpu.memref_slice %arg11[%run_scoped3A_239, %dma_wait3A_273, %dma_wait3A_274] : memref<5x80x128xbf16, #tpu.memory_space<vmem>> -> memref<1x80x128xbf16, #tpu.memory_space<vmem>>
        %dma_wait3A_276 = tpu.memref_squeeze %dma_wait3A_275 : memref<1x80x128xbf16, #tpu.memory_space<vmem>> -> memref<80x128xbf16, #tpu.memory_space<vmem>>
        %dma_wait3A_277 = arith.constant 0 : i32
        %dma_wait3A_278 = tpu.memref_slice %arg10[%add3A_227, %dma_wait3A_277] : memref<125x80xi32, #tpu.memory_space<vmem>> -> memref<1x80xi32, #tpu.memory_space<vmem>>
        %dma_wait3A_279 = tpu.memref_squeeze %dma_wait3A_278 : memref<1x80xi32, #tpu.memory_space<vmem>> -> memref<80xi32, #tpu.memory_space<vmem>>
        %dma_wait3A_280 = arith.constant 0 : i32
        %dma_wait3A_281 = arith.constant 0 : i32
        %dma_wait3A_282 = tpu.memref_slice %arg13[%dma_wait3A_280, %dma_wait3A_281] : memref<10000x128xbf16, #tpu.memory_space<vmem_shared>> -> memref<10000x128xbf16, #tpu.memory_space<vmem_shared>>
        tpu.wait_indirect_dma semaphore(%run_scoped3A_262 : memref<!tpu.dma_semaphore, #tpu.memory_space<semaphore_mem>>) src(%dma_wait3A_276 : memref<80x128xbf16, #tpu.memory_space<vmem>>) dst(%dma_wait3A_282 : memref<10000x128xbf16, #tpu.memory_space<vmem_shared>>)
        tpu.yield
      }) : () -> ()
      %add3A_240 = arith.constant 5 : i32
      %add3A_241 = arith.addi %add3A_227, %add3A_240 : i32
      %lt3A_242 = arith.constant 125 : i32
      %lt3A_243 = arith.cmpi slt, %add3A_241, %lt3A_242 : i32
      %convert_element_type3A_244 = arith.extui %lt3A_243 : i1 to i32
      %cond3A_245 = arith.constant 0 : i32
      %cond3A_246 = arith.cmpi ne, %convert_element_type3A_244, %cond3A_245 : i32
      scf.if %cond3A_246 {
        %add3A_262 = arith.constant 5 : i32
        %add3A_263 = arith.addi %add3A_227, %add3A_262 : i32
        %dma_start3A_264 = arith.constant 4 : i32
        %dma_start3A_265 = arith.constant 0 : i32
        %dma_start3A_266 = arith.constant 0 : i32
        %dma_start3A_267 = tpu.memref_slice %arg11[%dma_start3A_264, %dma_start3A_265, %dma_start3A_266] : memref<5x80x128xbf16, #tpu.memory_space<vmem>> -> memref<1x80x128xbf16, #tpu.memory_space<vmem>>
        %dma_start3A_268 = tpu.memref_squeeze %dma_start3A_267 : memref<1x80x128xbf16, #tpu.memory_space<vmem>> -> memref<80x128xbf16, #tpu.memory_space<vmem>>
        %dma_start3A_269 = arith.constant 0 : i32
        %dma_start3A_270 = tpu.memref_slice %arg9[%add3A_263, %dma_start3A_269] : memref<125x80xi32, #tpu.memory_space<vmem>> -> memref<1x80xi32, #tpu.memory_space<vmem>>
        %dma_start3A_271 = tpu.memref_squeeze %dma_start3A_270 : memref<1x80xi32, #tpu.memory_space<vmem>> -> memref<80xi32, #tpu.memory_space<vmem>>
        %dma_start3A_272 = arith.constant 0 : i32
        %dma_start3A_273 = arith.constant 0 : i32
        %dma_start3A_274 = tpu.memref_slice %arg2[%dma_start3A_272, %dma_start3A_273] : memref<10000x128xbf16, #tpu.memory_space<hbm>> -> memref<10000x128xbf16, #tpu.memory_space<hbm>>
        tpu.enqueue_indirect_dma source(%dma_start3A_274 : memref<10000x128xbf16, #tpu.memory_space<hbm>>) target(%dma_start3A_268 : memref<80x128xbf16, #tpu.memory_space<vmem>>) offsets(%dma_start3A_271 : memref<80xi32, #tpu.memory_space<vmem>>) semaphore(%arg18 : memref<!tpu.dma_semaphore, #tpu.memory_space<semaphore_mem>>)
      } else {
      }
      %get3A_247 = arith.index_cast %add3A_227 : i32 to index
      %get3A_248 = arith.constant 0 : index
      %get3A_249 = tpu.vector_load %arg10[%get3A_247, %get3A_248] {strides = array<i32>} : memref<125x80xi32, #tpu.memory_space<vmem>>, vector<16xi32>,
      tpu.vector_store_idx %arg12[%get3A_249], %broadcast_in_dim3A_1 {add = true} : memref<10000xf32, #tpu.memory_space<vmem>>[vector<16xi32>], vector<16xf32>,
      %get3A_250 = arith.index_cast %add3A_227 : i32 to index
      %get3A_251 = arith.constant 16 : index
      %get3A_252 = tpu.vector_load %arg10[%get3A_250, %get3A_251] {strides = array<i32>} : memref<125x80xi32, #tpu.memory_space<vmem>>, vector<16xi32>,
      tpu.vector_store_idx %arg12[%get3A_252], %broadcast_in_dim3A_1 {add = true} : memref<10000xf32, #tpu.memory_space<vmem>>[vector<16xi32>], vector<16xf32>,
      %get3A_253 = arith.index_cast %add3A_227 : i32 to index
      %get3A_254 = arith.constant 32 : index
      %get3A_255 = tpu.vector_load %arg10[%get3A_253, %get3A_254] {strides = array<i32>} : memref<125x80xi32, #tpu.memory_space<vmem>>, vector<16xi32>,
      tpu.vector_store_idx %arg12[%get3A_255], %broadcast_in_dim3A_1 {add = true} : memref<10000xf32, #tpu.memory_space<vmem>>[vector<16xi32>], vector<16xf32>,
      %get3A_256 = arith.index_cast %add3A_227 : i32 to index
      %get3A_257 = arith.constant 48 : index
      %get3A_258 = tpu.vector_load %arg10[%get3A_256, %get3A_257] {strides = array<i32>} : memref<125x80xi32, #tpu.memory_space<vmem>>, vector<16xi32>,
      tpu.vector_store_idx %arg12[%get3A_258], %broadcast_in_dim3A_1 {add = true} : memref<10000xf32, #tpu.memory_space<vmem>>[vector<16xi32>], vector<16xf32>,
      %get3A_259 = arith.index_cast %add3A_227 : i32 to index
      %get3A_260 = arith.constant 64 : index
      %get3A_261 = tpu.vector_load %arg10[%get3A_259, %get3A_260] {strides = array<i32>} : memref<125x80xi32, #tpu.memory_space<vmem>>, vector<16xi32>,
      tpu.vector_store_idx %arg12[%get3A_261], %broadcast_in_dim3A_1 {add = true} : memref<10000xf32, #tpu.memory_space<vmem>>[vector<16xi32>], vector<16xf32>,
    }
    %scan3A_72 = arith.constant 25 : i32
    "tpu.region"() ({
      %run_scoped3A = tpu.sem_alloc : memref<!tpu.dma_semaphore, #tpu.memory_space<semaphore_mem>>
      %dma_start3A_76 = arith.constant 0 : i32
      %dma_start3A_77 = tpu.memref_slice %arg8[%arg0, %arg1, %dma_start3A_76] : memref<2x16x10000xf32, #tpu.memory_space<hbm>> -> memref<1x1x10000xf32, #tpu.memory_space<hbm>>
      %dma_start3A_78 = tpu.memref_squeeze %dma_start3A_77 : memref<1x1x10000xf32, #tpu.memory_space<hbm>> -> memref<10000xf32, #tpu.memory_space<hbm>>
      %dma_start3A_79 = arith.constant 0 : i32
      %dma_start3A_80 = tpu.memref_slice %arg8[%arg0, %arg1, %dma_start3A_79] : memref<2x16x10000xf32, #tpu.memory_space<hbm>> -> memref<1x1x10000xf32, #tpu.memory_space<hbm>>
      %dma_start3A_81 = tpu.memref_squeeze %dma_start3A_80 : memref<1x1x10000xf32, #tpu.memory_space<hbm>> -> memref<10000xf32, #tpu.memory_space<hbm>>
      tpu.enqueue_dma source(%arg12 : memref<10000xf32, #tpu.memory_space<vmem>>) target(%dma_start3A_81 : memref<10000xf32, #tpu.memory_space<hbm>>) target_semaphore(%run_scoped3A : memref<!tpu.dma_semaphore, #tpu.memory_space<semaphore_mem>>)
      %dma_wait3A_82 = arith.constant 0 : i32
      %dma_wait3A_83 = tpu.memref_slice %arg8[%arg0, %arg1, %dma_wait3A_82] : memref<2x16x10000xf32, #tpu.memory_space<hbm>> -> memref<1x1x10000xf32, #tpu.memory_space<hbm>>
      %dma_wait3A_84 = tpu.memref_squeeze %dma_wait3A_83 : memref<1x1x10000xf32, #tpu.memory_space<hbm>> -> memref<10000xf32, #tpu.memory_space<hbm>>
      %dma_wait3A_85 = arith.constant 0 : i32
      %dma_wait3A_86 = tpu.memref_slice %arg8[%arg0, %arg1, %dma_wait3A_85] : memref<2x16x10000xf32, #tpu.memory_space<hbm>> -> memref<1x1x10000xf32, #tpu.memory_space<hbm>>
      %dma_wait3A_87 = tpu.memref_squeeze %dma_wait3A_86 : memref<1x1x10000xf32, #tpu.memory_space<hbm>> -> memref<10000xf32, #tpu.memory_space<hbm>>
      tpu.wait_dma2 semaphore(%run_scoped3A : memref<!tpu.dma_semaphore, #tpu.memory_space<semaphore_mem>>) src(%arg12 : memref<10000xf32, #tpu.memory_space<vmem>>) dst(%dma_wait3A_87 : memref<10000xf32, #tpu.memory_space<hbm>>)
      tpu.yield
    }) : () -> ()
    %barrier3A_73 = arith.constant 0 : index
    tpu.barrier barrier_id(%barrier3A_73)
    %mul3A_74 = arith.constant 625 : i32
    %mul3A_75 = arith.muli %arg1, %mul3A_74 : i32
    "tpu.region"() ({
      %run_scoped3A = tpu.sem_alloc : memref<!tpu.dma_semaphore, #tpu.memory_space<semaphore_mem>>
      %dma_start3A_76 = arith.constant 0 : i32
      %dma_start3A_77 = arith.constant 0 : i32
      %dma_start3A_78 = tpu.memref_slice %arg7[%arg0, %arg1, %dma_start3A_76, %dma_start3A_77] : memref<2x16x625x128xbf16, #tpu.memory_space<hbm>> -> memref<1x1x625x128xbf16, #tpu.memory_space<hbm>>
      %dma_start3A_79 = tpu.memref_squeeze %dma_start3A_78 : memref<1x1x625x128xbf16, #tpu.memory_space<hbm>> -> memref<625x128xbf16, #tpu.memory_space<hbm>>
      %dma_start3A_80 = arith.constant 0 : i32
      %dma_start3A_81 = tpu.memref_slice %arg13[%mul3A_75, %dma_start3A_80] : memref<10000x128xbf16, #tpu.memory_space<vmem_shared>> -> memref<625x128xbf16, #tpu.memory_space<vmem_shared>>
      tpu.enqueue_dma source(%dma_start3A_81 : memref<625x128xbf16, #tpu.memory_space<vmem_shared>>) target(%dma_start3A_79 : memref<625x128xbf16, #tpu.memory_space<hbm>>) target_semaphore(%run_scoped3A : memref<!tpu.dma_semaphore, #tpu.memory_space<semaphore_mem>>)
      %dma_wait3A_82 = arith.constant 0 : i32
      %dma_wait3A_83 = arith.constant 0 : i32
      %dma_wait3A_84 = tpu.memref_slice %arg7[%arg0, %arg1, %dma_wait3A_82, %dma_wait3A_83] : memref<2x16x625x128xbf16, #tpu.memory_space<hbm>> -> memref<1x1x625x128xbf16, #tpu.memory_space<hbm>>
      %dma_wait3A_85 = tpu.memref_squeeze %dma_wait3A_84 : memref<1x1x625x128xbf16, #tpu.memory_space<hbm>> -> memref<625x128xbf16, #tpu.memory_space<hbm>>
      %dma_wait3A_86 = arith.constant 0 : i32
      %dma_wait3A_87 = tpu.memref_slice %arg13[%mul3A_75, %dma_wait3A_86] : memref<10000x128xbf16, #tpu.memory_space<vmem_shared>> -> memref<625x128xbf16, #tpu.memory_space<vmem_shared>>
      tpu.wait_dma2 semaphore(%run_scoped3A : memref<!tpu.dma_semaphore, #tpu.memory_space<semaphore_mem>>) src(%dma_wait3A_87 : memref<625x128xbf16, #tpu.memory_space<vmem_shared>>) dst(%dma_wait3A_85 : memref<625x128xbf16, #tpu.memory_space<hbm>>)
      tpu.yield
    }) : () -> ()
    return
  }
}

module attributes {stable_mosaic.version = 14 : i64} {
  func.func @body(%arg0: i32, %arg1: memref<2x2000x128xbf16, #tpu.memory_space<vmem>>, %arg2: memref<2000x32xf32, #tpu.memory_space<vmem>>, %arg3: memref<2000x128xbf16, #tpu.memory_space<vmem>>, %arg4: memref<128x128xf32, #tpu.memory_space<vmem>>, %arg5: memref<128x128xf32, #tpu.memory_space<vmem>>, %arg6: memref<1x128xf32, #tpu.memory_space<vmem>>, %arg7: memref<2000x128xf32, #tpu.memory_space<vmem>>) attributes {dimension_semantics = [#tpu.dimension_semantics<arbitrary>], iteration_bounds = array<i64: 5>, scalar_prefetch = 0 : i64, scratch_operands = 0 : i64, tpu.core_type = #tpu.core_type<tc>, window_params = [{transform_indices = @transform_0, window_bounds = array<i64: 2, 2000, 128>}, {transform_indices = @transform_1, window_bounds = array<i64: 2000, 32>}, {transform_indices = @transform_2, window_bounds = array<i64: 2000, 128>}, {pipeline_mode = #tpu.pipeline_mode<synchronous>, transform_indices = @transform_3, window_bounds = array<i64: 128, 128>}, {pipeline_mode = #tpu.pipeline_mode<synchronous>, transform_indices = @transform_4, window_bounds = array<i64: 128, 128>}, {pipeline_mode = #tpu.pipeline_mode<synchronous>, transform_indices = @transform_5, window_bounds = array<i64: 1, 128>}, {transform_indices = @transform_6, window_bounds = array<i64: 2000, 128>}]} {
    %get3A = arith.constant 0 : index
    %get3A_0 = arith.constant 0 : index
    %get3A_1 = arith.constant 0 : index
    %get3A_2 = vector.load %arg1[%get3A, %get3A_0, %get3A_1] : memref<2x2000x128xbf16, #tpu.memory_space<vmem>>, vector<2x2000x128xbf16>
    %convert_element_type3A = arith.extf %get3A_2 : vector<2x2000x128xbf16> to vector<2x2000x128xf32>
    %slice3A = vector.extract_strided_slice %convert_element_type3A {offsets = [0, 0, 0], sizes = [1, 2000, 128], strides = [1, 1, 1]} : vector<2x2000x128xf32> to vector<1x2000x128xf32>
    %squeeze3A = vector.shape_cast %slice3A : vector<1x2000x128xf32> to vector<2000x128xf32>
    %slice3A_3 = vector.extract_strided_slice %convert_element_type3A {offsets = [1, 0, 0], sizes = [1, 2000, 128], strides = [1, 1, 1]} : vector<2x2000x128xf32> to vector<1x2000x128xf32>
    %squeeze3A_4 = vector.shape_cast %slice3A_3 : vector<1x2000x128xf32> to vector<2000x128xf32>
    %add3A = arith.addf %squeeze3A, %squeeze3A_4 : vector<2000x128xf32>
    %get3A_5 = arith.constant 0 : index
    %get3A_6 = arith.constant 0 : index
    %get3A_7 = vector.load %arg2[%get3A_5, %get3A_6] : memref<2000x32xf32, #tpu.memory_space<vmem>>, vector<2000x32xf32>
    %reduce_sum3A = arith.constant dense<0.000000e+00> : vector<2000xf32>
    %reduce_sum3A_8 = vector.multi_reduction <add>, %get3A_7, %reduce_sum3A [1] : vector<2000x32xf32> to vector<2000xf32>
    %broadcast_in_dim3A = vector.shape_cast %reduce_sum3A_8 : vector<2000xf32> to vector<2000x1xf32>
    %max3A = arith.constant 1.000000e+00 : f32
    %max3A_9 = vector.broadcast %max3A : f32 to vector<2000x1xf32>
    %max3A_10 = arith.maximumf %broadcast_in_dim3A, %max3A_9 : vector<2000x1xf32>
    %div3A = vector.broadcast %max3A_10 : vector<2000x1xf32> to vector<2000x128xf32>
    %div3A_11 = arith.divf %add3A, %div3A : vector<2000x128xf32>
    %get3A_12 = arith.constant 0 : index
    %get3A_13 = arith.constant 0 : index
    %get3A_14 = vector.load %arg4[%get3A_12, %get3A_13] : memref<128x128xf32, #tpu.memory_space<vmem>>, vector<128x128xf32>
    %dot_general3A = arith.constant dense<0.000000e+00> : vector<2000x128xf32>
    %dot_general3A_15 = tpu.matmul %div3A_11, %get3A_14, %dot_general3A {dimension_numbers = #tpu.dot_dimension_numbers<[1], [1], [0], [0], [0, 0, 1, 0], [], []>, transpose_lhs_hint = false} : vector<2000x128xf32>, vector<128x128xf32>, vector<2000x128xf32> -> vector<2000x128xf32>
    %get3A_16 = arith.constant 0 : index
    %get3A_17 = arith.constant 0 : index
    %get3A_18 = vector.load %arg3[%get3A_16, %get3A_17] : memref<2000x128xbf16, #tpu.memory_space<vmem>>, vector<2000x128xbf16>
    %get3A_19 = arith.constant 0 : index
    %get3A_20 = arith.constant 0 : index
    %get3A_21 = vector.load %arg5[%get3A_19, %get3A_20] : memref<128x128xf32, #tpu.memory_space<vmem>>, vector<128x128xf32>
    %dot_general3A_22 = arith.constant dense<0.000000e+00> : vector<2000x128xf32>
    %dot_general3A_23 = tpu.matmul %get3A_18, %get3A_21, %dot_general3A_22 {dimension_numbers = #tpu.dot_dimension_numbers<[1], [1], [0], [0], [0, 0, 1, 0], [], []>, transpose_lhs_hint = false} : vector<2000x128xbf16>, vector<128x128xf32>, vector<2000x128xf32> -> vector<2000x128xf32>
    %add3A_24 = arith.addf %dot_general3A_15, %dot_general3A_23 : vector<2000x128xf32>
    %get3A_25 = arith.constant 0 : index
    %get3A_26 = arith.constant 0 : index
    %get3A_27 = vector.load %arg6[%get3A_25, %get3A_26] : memref<1x128xf32, #tpu.memory_space<vmem>>, vector<1x128xf32>
    %add3A_28 = vector.broadcast %get3A_27 : vector<1x128xf32> to vector<2000x128xf32>
    %add3A_29 = arith.addf %add3A_24, %add3A_28 : vector<2000x128xf32>
    %swap3A = arith.constant 0 : index
    %swap3A_30 = arith.constant 0 : index
    %swap3A_31 = vector.load %arg7[%swap3A, %swap3A_30] : memref<2000x128xf32, #tpu.memory_space<vmem>>, vector<2000x128xf32>
    tpu.vector_store %arg7[%swap3A, %swap3A_30], %add3A_29 {strides = array<i32>} : memref<2000x128xf32, #tpu.memory_space<vmem>>, vector<2000x128xf32>,
    return
  }
  func.func @transform_0(%arg0: i32) -> (i32, i32, i32) {
    %c0_i32 = arith.constant 0 : i32
    %c0_i32_0 = arith.constant 0 : i32
    %c0_i32_1 = arith.constant 0 : i32
    return %c0_i32, %arg0, %c0_i32_0 : i32, i32, i32
  }
  func.func @transform_1(%arg0: i32) -> (i32, i32) {
    %c0_i32 = arith.constant 0 : i32
    %c0_i32_0 = arith.constant 0 : i32
    return %arg0, %c0_i32 : i32, i32
  }
  func.func @transform_2(%arg0: i32) -> (i32, i32) {
    %c0_i32 = arith.constant 0 : i32
    %c0_i32_0 = arith.constant 0 : i32
    return %arg0, %c0_i32 : i32, i32
  }
  func.func @transform_3(%arg0: i32) -> (i32, i32) {
    %c0_i32 = arith.constant 0 : i32
    %c0_i32_0 = arith.constant 0 : i32
    %c0_i32_1 = arith.constant 0 : i32
    return %c0_i32, %c0_i32_0 : i32, i32
  }
  func.func @transform_4(%arg0: i32) -> (i32, i32) {
    %c0_i32 = arith.constant 0 : i32
    %c0_i32_0 = arith.constant 0 : i32
    %c0_i32_1 = arith.constant 0 : i32
    return %c0_i32, %c0_i32_0 : i32, i32
  }
  func.func @transform_5(%arg0: i32) -> (i32, i32) {
    %c0_i32 = arith.constant 0 : i32
    %c0_i32_0 = arith.constant 0 : i32
    %c0_i32_1 = arith.constant 0 : i32
    return %c0_i32, %c0_i32_0 : i32, i32
  }
  func.func @transform_6(%arg0: i32) -> (i32, i32) {
    %c0_i32 = arith.constant 0 : i32
    %c0_i32_0 = arith.constant 0 : i32
    return %arg0, %c0_i32 : i32, i32
  }
}

</mosaic_0001>

<sc_bundles>
// kernel: kernel.4.cloned.1.call-start
scs
__scs_entry_jumppad:
0x0: {  	(pc) =	sbr.rel $0x88, $3  }
0x1: {  	(tag) =	ssettag $0x0;
	lr =	simm.s32 $0x1  }
0x2: {  	[smem:$0x3F9C] =	sst lr;
	_ =	strace $0xD0000000  }
0x3: {  	_ = 	snop  }
0x4: {  	_ = 	snop  }
0x5: {  	_ = 	snop  }
0x6: {  	_ = 	snop  }
0x7: {  	_ = 	snop  }
__scs_overlays_trampoline_lowered:
0x8: {  	[smem:$0x3FAB] =	sst s0  }
0x9: {  	[smem:$0x3FAC] =	sst s1  }
0xa: {  	[smem:$0x3FAD] =	sst s2  }
0xb: {  	[smem:$0x3FAE] =	sst s3  }
0xc: {  	[smem:$0x3FAF] =	sst s4  }
0xd: {  	[smem:$0x3FB0] =	sst s5  }
0xe: {  	[smem:$0x3FB1] =	sst s6  }
0xf: {  	[smem:$0x3FB2] =	sst s7  }
0x10: {  	[smem:$0x3FB3] =	sst s8  }
0x11: {  	[smem:$0x3FB4] =	sst s9;
	s0 =	simm.s32 @!p0 $0x0  }
0x12: {  	s1 =	sld [smem:$0x3F9A];
	s0 =	simm.s32 @p0 $0x1  }
0x13: {  	[smem:$0x3FB5] =	sst s0;
	s0 =	simm.s32 @!p1 $0x0  }
0x14: {  	s2 =	sld [smem:$0x3F99];
	s0 =	simm.s32 @p1 $0x1  }
0x15: {  	[smem:$0x3FB6] =	sst s0;
	s0 =	simm.s32 @!p2 $0x0  }
0x16: {  	s3 =	sld [smem:$0x3FDB];
	s0 =	simm.s32 @p2 $0x1  }
0x17: {  	s4 =	simm.s32 $0x1BF5;
	[smem:$0x3FB8] =	sst s0  }
0x18: {  	s0 =	sld [smem:$0x3F9B];
	_ =	swait.ge [sflag:s4], $0x0  }
0x19: {  	s7 =	sld [smem:$0x3F9C]  }
0x1a: {  	s8 =	sadd.s32 $0xFFFFE003, lr  }
0x1b: {  	s9 =	sadd.s32 $0xFFFFFEF7, lr;
	s5 =	simm.s32 $0xFFFFFFFF;
	p2 =	slt.u32 s8, $0xFFFFF086  }
0x1c: {  	p1 =	slt.u32 s9, $0xF7A;
	s5 =	simm.s32 @!p2 $0x0  }
0x1d: {  	s5 =	simm.s32 @p1 $0x1;
	p0 =	seq.s32 s7, s2  }
0x1e: {  	s7 =	smul.u32 @!p0 $0xF7A, s2;
	p2 =	seq.s32 @!p0 s5, $0x0  }
0x1f: {  	s9 =	smul.u32 $0xF7A, s1;
	s8 =	simm.s32 @!p0 $0x1BF5;
	p2 =	por !p2, p0  }
0x20: {  	[sflag:s8] =	ssyncset.s32 @!p0 $0xFFFFF086;
	s6 =	sadd.s32 @!p0 s3, s7;
	s7 =	simm.s32 @!p0 $0x108  }
0x21: {  	s3 =	sadd.s32 s3, s9;
	s6 =	sadd.s32 @!p0 $0x88, s6;
	s7 =	simm.s32 @p2 $0x1082  }
0x22: {  	[simem:s7], [sflag:s8] =	dma.local @!p0 [hbm:s6], $0xF7A  }
0x23: {  	s9 =	sor.u32 $0xD0000000, s2;
	s6 =	simm.s32 $0x108;
	_ =	swait.ge @!p0 [sflag:s8], $0x0  }
0x24: {  	s3 =	sadd.s32 $0x88, s3;
	s6 =	simm.s32 @!p1 $0x1082;
	[sflag:s4] =	ssyncset.s32 $0xFFFFF086  }
0x25: {  	[simem:s6], [sflag:s4] =	dma.local [hbm:s3], $0xF7A  }
0x26: {  	[smem:$0x3F9C] =	sst s1;
	(tag) =	ssettag s2;
	_ =	strace s9  }
0x27: {  	s1 =	sld [smem:$0x3FAC]  }
0x28: {  	s2 =	sld [smem:$0x3FAD]  }
0x29: {  	s4 =	sld [smem:$0x3FAF]  }
0x2a: {  	p0 =	seq.s32 s5, $0x0;
	s5 =	sld [smem:$0x3FB0]  }
0x2b: {  	s6 =	sld [smem:$0x3FB1]  }
0x2c: {  	s7 =	sld [smem:$0x3FB2]  }
0x2d: {  	s3 =	simm.s32 $0x108;
	s8 =	sld [smem:$0x3FB3]  }
0x2e: {  	s3 =	simm.s32 @!p0 $0x1082;
	s9 =	sld [smem:$0x3FB4]  }
0x2f: {  	lr =	sadd.s32 s0, s3;
	s0 =	sld [smem:$0x3FAB]  }
0x30: {  	s3 =	sld [smem:$0x3FAE]  }
0x31: {  	[smem:$0x3FB7] =	sst s10  }
0x32: {  	s10 =	sld [smem:$0x3FB5];
	_ =	sdelay $0x3  }
0x33: {  	p0 =	seq.s32 s10, $0x1;
	s10 =	sld [smem:$0x3FB7];
	_ =	sdelay $0x3  }
0x34: {  	[smem:$0x3FB7] =	sst s10  }
0x35: {  	s10 =	sld [smem:$0x3FB6];
	_ =	sdelay $0x3  }
0x36: {  	p1 =	seq.s32 s10, $0x1;
	s10 =	sld [smem:$0x3FB7];
	_ =	sdelay $0x3  }
0x37: {  	[smem:$0x3FB7] =	sst s10  }
0x38: {  	s10 =	sld [smem:$0x3FB8]  }
0x39: {  	_ = 	snop;
	(pc) =	sbr.ind lr, $3  }
0x3a: {  	_ = 	snop  }
0x3b: {  	_ = 	snop  }
0x3c: {  	p2 =	seq.s32 s10, $0x1;
	s10 =	sld [smem:$0x3FB7]  }
0x3d: {  	_ =	shalt  }
0x3e: {  	_ =	shalt  }
0x3f: {  	_ =	shalt  }
0x40: {  	_ =	shalt  }
0x41: {  	_ =	shalt  }
0x42: {  	_ =	shalt  }
0x43: {  	_ =	shalt  }
0x44: {  	_ =	shalt  }
0x45: {  	_ =	shalt  }
0x46: {  	_ =	shalt  }
0x47: {  	_ =	shalt  }
0x48: {  	_ =	shalt  }
0x49: {  	_ =	shalt  }
0x4a: {  	_ =	shalt  }
0x4b: {  	_ =	shalt  }
0x4c: {  	_ =	shalt  }
0x4d: {  	_ =	shalt  }
0x4e: {  	_ =	shalt  }
0x4f: {  	_ =	shalt  }
0x50: {  	_ =	shalt  }
0x51: {  	_ =	shalt  }
0x52: {  	_ =	shalt  }
0x53: {  	_ =	shalt  }
0x54: {  	_ =	shalt  }
0x55: {  	_ =	shalt  }
0x56: {  	_ =	shalt  }
0x57: {  	_ =	shalt  }
0x58: {  	_ =	shalt  }
0x59: {  	_ =	shalt  }
0x5a: {  	_ =	shalt  }
0x5b: {  	_ =	shalt  }
0x5c: {  	_ =	shalt  }
0x5d: {  	_ =	shalt  }
0x5e: {  	_ =	shalt  }
0x5f: {  	_ =	shalt  }
0x60: {  	_ =	shalt  }
0x61: {  	_ =	shalt  }
0x62: {  	_ =	shalt  }
0x63: {  	_ =	shalt  }
0x64: {  	_ =	shalt  }
0x65: {  	_ =	shalt  }
0x66: {  	_ =	shalt  }
0x67: {  	_ =	shalt  }
0x68: {  	_ =	shalt  }
0x69: {  	_ =	shalt  }
0x6a: {  	_ =	shalt  }
0x6b: {  	_ =	shalt  }
0x6c: {  	_ =	shalt  }
0x6d: {  	_ =	shalt  }
0x6e: {  	_ =	shalt  }
0x6f: {  	_ =	shalt  }
0x70: {  	_ =	shalt  }
0x71: {  	_ =	shalt  }
0x72: {  	_ =	shalt  }
0x73: {  	_ =	shalt  }
0x74: {  	_ =	shalt  }
0x75: {  	_ =	shalt  }
0x76: {  	_ =	shalt  }
0x77: {  	_ =	shalt  }
0x78: {  	_ =	shalt  }
0x79: {  	_ =	shalt  }
0x7a: {  	_ =	shalt  }
0x7b: {  	_ =	shalt  }
0x7c: {  	_ =	shalt  }
0x7d: {  	_ =	shalt  }
0x7e: {  	_ =	shalt  }
0x7f: {  	_ =	shalt  }
0x80: {  	_ =	shalt  }
0x81: {  	_ =	shalt  }
0x82: {  	_ =	shalt  }
0x83: {  	_ =	shalt  }
0x84: {  	_ =	shalt  }
0x85: {  	_ =	shalt  }
0x86: {  	_ =	shalt  }
0x87: {  	_ =	shalt  }
.Lfunc_end0:
.L_simem_size_0:
called_computation_lowered:
.L_overlay_start_0:
0x88: {  	s2 =	sld [smem:$0x3FD9]  }
0x89: {  	s3 =	sld [smem:$0x3FFE];
	_ =	sdelay $0x1  }
0x8a: {  	s1 =	srdreg.scid  }
0x8b: {  	s0 =	sand.u32 $0x1, s1  }
0x8c: {  	s17 =	sshll.u32 s0, $0xA;
	s2 =	sadd.s32 s3, s2  }
0x8d: {  	s2 =	sadd.s32 s2, s17  }
0x8e: {  	[smem:$0x3FC3] =	sst s2  }
0x8f: {  	_ = 	snop  }
0x90: {  	s2 =	sld [smem:$0x3FD0];
	(tm) =	ssettm $0x1  }
0x91: {  	s18 =	sld [smem:$0x3FFB];
	_ =	sdelay $0x3  }
0x92: {  	_ =	strace s18  }
0x93: {  	s3 =	sld [smem:$0x3FFC];
	_ =	sdelay $0x3  }
0x94: {  	_ =	strace s3  }
0x95: {  	s3 =	sld [smem:$0x3FFD];
	_ =	sdelay $0x3  }
0x96: {  	_ =	strace s3  }
0x97: {  	_ =	strace $0x8FFFFFFF  }
0x98: {  	s19 =	sld [smem:$0x3FDB];
	_ =	sdelay $0x1  }
0x99: {  	s4 =	simm.s32 $_scs_section_size  }
0x9a: {  	s5 =	simm.s32 $_size__tile_overlayer_lowered;
	s6 =	simm.s32 $_tile_overlayer_lowered  }
0x9b: {  	s22 =	simm.s32 $0x1BFF;
	s21 =	sshll.u32 s6, $0x1;
	s3 =	sadd.s32 s4, s19  }
0x9c: {  	s7 =	simm.s32 $0x0;
	s20 =	sshll.u32 s5, $0x1;
	s5 =	sadd.s32 s21, s3  }
0x9d: {  	[timem:s7], [sflag:s22] =	dma.local [hbm:s5], s20  }
0x9e: {  	_ =	swait.ge [sflag:s22], s20  }
0x9f: {  	s4 =	ssub.s32 $0x0, s20;
	[sflag:s22] =	ssyncset.done $0x0  }
0xa0: {  	[sflag:s22] =	ssyncadd.s32 s4;
	_ =	sdelay $0x1  }
0xa1: {  	s23 =	simm.s32 $0x1B8B  }
0xa2: {  	_ =	swait.ge [sflag:s23], $0x1  }
0xa3: {  	[sflag:s23] =	ssyncset.done $0x0  }
0xa4: {  	s25 =	simm.s32 $0x1B8E;
	s24 =	sld [smem:$0x3FFE];
	[sflag:s23] =	ssyncadd.s32 $0xFFFFFFFF  }
0xa5: {  	s26 =	simm.s32 $execute0_lowered;
	[smem:$0x3FD2] =	sst s25  }
0xa6: {  	s5 =	sshll.u32 s26, $0x1;
	_ =	strace $0x80000046;
	[dreg:$0x1] =	wrdreg $0xFFFFFFFF  }
0xa7: {  	s28 =	simm.s32 $_size_execute0_lowered;
	s3 =	sadd.s32 s3, s5;
	[dreg:$0x0] =	wrdreg $0x0  }
0xa8: {  	s5 =	sshll.u32 s28, $0x1;
	[dreg:$0x2] =	wrdreg s3  }
0xa9: {  	[dreg:$0x3] =	wrdreg s5  }
0xaa: {  	[dreg:$0x4] =	wrdreg $0xC0  }
0xab: {  	_ =	task [dreg:s7], $0x5FFFF  }
0xac: {  	[dreg:$0x1] =	wrdreg $0xFFFFFFFF  }
0xad: {  	[dreg:$0x0] =	wrdreg $0x60  }
0xae: {  	[dreg:$0x2] =	wrdreg s24  }
0xaf: {  	[dreg:$0x3] =	wrdreg s2  }
0xb0: {  	[dreg:$0x4] =	wrdreg $0xD9300  }
0xb1: {  	[dreg:$0x5] =	wrdreg $0x9  }
0xb2: {  	_ =	task.clear_ibuf [dreg:s7], $0x6FFFF;
	_ =	strace $0x90000046  }
0xb3: {  	s29 =	simm.s32 $0x9;
	_ =	strace $0x80000048  }
0xb4: {  	_ =	swait.ge [sflag:s29], $0x1  }
0xb5: {  	[sflag:s29] =	ssyncadd.s32 $0xFFFFFFFF  }
0xb6: {  	_ =	strace $0x90000048  }
0xb7: {  	_ =	sfence  }
0xb8: {  	s30 =	sld [smem:$0x0];
	_ =	sdelay $0x2  }
0xb9: {  	s31 =	sshll.u32 s1, $0xD;
	s1 =	sshrl.u32 s1, $0x2  }
0xba: {  	s3 =	sand.u32 $0x4000, s31;
	s1 =	sadd.s32 s1, s30  }
0xbb: {  	s0 =	sor.u32 s3, s0;
	s1 =	sshll.u32 s1, $0x11  }
0xbc: {  	s0 =	sor.u32 s1, s0  }
0xbd: {  	s0 =	sadd.s32 $0x8F2B, s0  }
0xbe: {  	[sflag:s0] =	ssyncadd.remote.s32 $0x1  }
0xbf: {  	_ =	sfence.sel $0xFFFF  }
0xc0: {  	[dreg:$0x0] =	wrdreg $0xFFFFFFFF;
	(pc) =	sbr.abs _section_cstart, $3  }
0xc1: {  	[dreg:$0x1] =	wrdreg $0xFFFFFFFF  }
0xc2: {  	_ =	task.clear_ibuf [dreg:s7], $0x2FFFF;
	_ =	strace $0x9FFFFFFF  }
0xc3: {  	(tm) =	ssettm $0x7FFFFFFF  }
tec
execute0_lowered:
.L_overlay_start_1:
0x0: {  	(tag) =	ssettag $0x1  }
0x1: {  	s0 =	rddreg [dreg:$0x0]  }
0x2: {  	s1 =	srdreg.scid;
	s5 =	rddreg [dreg:$0x1]  }
0x3: {  	s2 =	rddreg [dreg:$0x2];
	s15 =	stileid.u32;
	s3 =	simm.s32 $0x0  }
0x4: {  	s17 =	simm.s32 $0xB220;
	s18 =	simm.s32 $0x50;
	s19 =	simm.s32 $0x4E20  }
0x5: {  	s20 =	simm.s32 $0x6220;
	s28 =	simm.s32 $0x6;
	s29 =	simm.s32 $0x1  }
0x6: {  	s30 =	simm.s32 $0x2;
	s31 =	simm.s32 $0x3;
	s16 =	simm.s32 $0x0  }
0x7: {  	s1 =	sand.u32 $0x1, s1;
	[smem:$0x7FF] =	sst s3;
	s8 =	smul.u32 $0x2710, s15  }
0x8: {  	s22 =	sadd.s32 $0x1200, s0;
	s23 =	sadd.s32 $0x29C00, s0;
	s9 =	smul.u32 $0x27100, s15  }
0x9: {  	s12 =	smul.u32 $0x13880, s15;
	_ =	strace $0x80000047;
	[dreg:$0x4] =	wrdreg s22  }
0xa: {  	s4 =	sshll.u32 s1, $0x4;
	s7 =	smul.u32 $0x27100, s1;
	[dreg:$0x5] =	wrdreg s23  }
0xb: {  	s24 =	ssub.s32 $0x2, s1;
	s1 =	smul.u32 $0x138800, s1;
	s22 =	simm.s32 $0x7620  }
0xc: {  	s4 =	sor.u32 s15, s4;
	s11 =	sshrl.u32 s24, $0x1;
	s25 =	sshrl.u32 s9, $0x2  }
0xd: {  	s6 =	smul.u32 $0x4E2, s4;
	s4 =	sadd.s32 $0x2600, s0;
	s7 =	sadd.s32 s8, s7  }
0xe: {  	s13 =	ssub.s32 s24, s11;
	s14 =	sadd.s32 s25, s2;
	s1 =	sadd.s32 s12, s1  }
0xf: {  	s24 =	simm.s32 $0x8A20;
	s7 =	sshrl.u32 s7, $0x3;
	s1 =	sshrl.u32 s1, $0x4  }
0x10: {  	s13 =	smax.u32 s13, $0x1;
	s14 =	sshrl.u32 s14, $0x3;
	s10 =	sadd.s32 s6, s0  }
0x11: {  	s0 =	sadd.s32 s7, s0;
	s7 =	sshll.u32 s15, $0x6;
	s12 =	sadd.s32 s5, s1  }
0x12: {  	s15 =	simm.s32 $0x7;
	s1 =	simm.s32 $0x5;
	s26 =	sor.u32 $0x1C06, s7  }
0x13: {  	s9 =	sadd.s32 $0x1FE00, s10;
	s10 =	sadd.s32 $0x16000, s10;
	s11 =	sadd.s32 $0x2A200, s0  }
0x14: {  	v0 =	vimm.f32 $1.000000000e+00;
	s0 =	simm.s32 $0x4;
	[dreg:$0x6] =	wrdreg s26;
	s26 =	simm.s32 $0x9E20  }
.LBB2_1:
0x15: {  	s5 =	rddreg [dreg:$0x4]  }
0x16: {  	s6 =	rddreg [dreg:$0x6]  }
0x17: {  	[spmem:s14], [sflag:s6] =	dma.local [hbm:s5], $0x1388  }
0x18: {  	[tilespmem:s3], [sflag:$0x7] =	stream.linear.gather [hbm4b:s9+s3], $0x2710, $0x38;
	[tilespmem:$0x17570] =	vst v63  }
0x19: {  	_ =	swait.ge [sflag:s15], $0x2710  }
0x1a: {  	[sflag:s15] =	ssyncset.done $0x0  }
0x1b: {  	s6 =	simm.s32 $0x2710;
	[sflag:s15] =	ssyncadd.s32 $0xFFFFD8F0  }
0x1c: {  	[tilespmem:s6], [sflag:$0x7] =	stream.linear.gather [hbm4b:s10+s3], $0x2710, $0x38;
	[tilespmem:$0x17570] =	vst v63  }
0x1d: {  	_ =	swait.ge [sflag:s15], $0x2710  }
0x1e: {  	[sflag:s15] =	ssyncset.done $0x0  }
0x1f: {  	s8 =	rddreg [dreg:$0x5];
	[sflag:s15] =	ssyncadd.s32 $0xFFFFD8F0  }
0x20: {  	[tilespmem:s17], [sflag:$0x7] =	stream.linear.gather [hbm4b:s8+s3], $0x2710, $0x38;
	[tilespmem:$0x17570] =	vst v63  }
0x21: {  	_ =	swait.ge [sflag:s15], $0x2710  }
0x22: {  	[sflag:s15] =	ssyncset.done $0x0  }
0x23: {  	[sflag:s15] =	ssyncadd.s32 $0xFFFFD8F0  }
0x24: {  	[tilespmem:s19], [sflag:$0x1] =	stream.indirect.gather [hbm4b:s4+s18], $0x40, s3, s18, $0xb8;
	[tilespmem:$0x17570] =	vst v63  }
0x25: {  	_ = 	snop  }
0x26: {  	[tilespmem:s20], [sflag:$0x2] =	stream.indirect.gather [hbm4b:s4+s18], $0x40, s18, s18, $0xb8;
	[tilespmem:$0x17570] =	vst v63  }
0x27: {  	s21 =	simm.s32 $0xA0  }
0x28: {  	[tilespmem:s22], [sflag:$0x3] =	stream.indirect.gather [hbm4b:s4+s18], $0x40, s21, s18, $0xb8;
	[tilespmem:$0x17570] =	vst v63  }
0x29: {  	s23 =	simm.s32 $0xF0  }
0x2a: {  	[tilespmem:s24], [sflag:$0x4] =	stream.indirect.gather [hbm4b:s4+s18], $0x40, s23, s18, $0xb8;
	[tilespmem:$0x17570] =	vst v63  }
0x2b: {  	s25 =	simm.s32 $0x140  }
0x2c: {  	[tilespmem:s26], [sflag:$0x5] =	stream.indirect.gather [hbm4b:s4+s18], $0x40, s25, s18, $0xb8;
	[tilespmem:$0x17570] =	vst v63  }
0x2d: {  	_ =	swait.ge [sflag:s28], $0x1388  }
0x2e: {  	[sflag:s28] =	ssyncset.done $0x0  }
0x2f: {  	[sflag:s28] =	ssyncadd.s32 $0xFFFFEC78  }
0x30: {  	s21 =	simm.s32 $0x0;
	[bflag:$0x0] =	sbarrier.arrive $0xFFFF  }
.LBB2_2:
0x31: {  	_ =	swait.ge [sflag:s29], $0x1400  }
0x32: {  	s23 =	sshra.s32 s21, $0x2;
	[sflag:s29] =	ssyncset.done $0x0  }
0x33: {  	s5 =	sadd.s32 $0x2710, s23;
	[sflag:s29] =	ssyncadd.s32 $0xFFFFEC00  }
0x34: {  	[spmem:s2] =	stream.indirect.scatter.add.bf16 [tilespmem:s19], [sflag:$0x7], $0x40, s5, s18, $0xb8;
	[tilespmem:$0x17570] =	vst v63  }
0x35: {  	p0 =	seq.s32 s21, $0x9600;
	_ =	swait.ge [sflag:s15], $0x1400  }
0x36: {  	s25 =	sshra.s32 @!p0 s21, $0x2;
	s8 =	simm.s32 @!p0 $0x4E20;
	[sflag:s15] =	ssyncset.done $0x0  }
0x37: {  	s6 =	sadd.s32 @!p0 $0x190, s25;
	s5 =	simm.s32 @!p0 $0x50;
	[sflag:s15] =	ssyncadd.s32 $0xFFFFEC00  }
0x38: {  	[tilespmem:s8], [sflag:$0x1] =	stream.indirect.gather @!p0 [hbm4b:s4+s5], $0x40, s6, s5, $0xb8;
	[tilespmem:$0x17570] =	vst v63  }
0x39: {  	v1 =	vld [tilespmem:s23+$0x2710];
	_ =	sdelay $0x7  }
0x3a: {  	[tilespmem:v1+s17+$0x0] =	vst.idx.add.f32.msk $0xffff, v0  }
0x3b: {  	v1 =	vld [tilespmem:s23+$0x2720];
	_ =	sdelay $0x7  }
0x3c: {  	[tilespmem:v1+s17+$0x0] =	vst.idx.add.f32.msk $0xffff, v0  }
0x3d: {  	v1 =	vld [tilespmem:s23+$0x2730];
	_ =	sdelay $0x7  }
0x3e: {  	[tilespmem:v1+s17+$0x0] =	vst.idx.add.f32.msk $0xffff, v0  }
0x3f: {  	v1 =	vld [tilespmem:s23+$0x2740];
	_ =	sdelay $0x7  }
0x40: {  	[tilespmem:v1+s17+$0x0] =	vst.idx.add.f32.msk $0xffff, v0  }
0x41: {  	v1 =	vld [tilespmem:s23+$0x2750];
	_ =	sdelay $0x7  }
0x42: {  	[tilespmem:v1+s17+$0x0] =	vst.idx.add.f32.msk $0xffff, v0  }
0x43: {  	_ =	swait.ge [sflag:s30], $0x1400  }
0x44: {  	[sflag:s30] =	ssyncset.done $0x0  }
0x45: {  	s8 =	sadd.s32 $0x2760, s23;
	[sflag:s30] =	ssyncadd.s32 $0xFFFFEC00  }
0x46: {  	[spmem:s2] =	stream.indirect.scatter.add.bf16 [tilespmem:s20], [sflag:$0x7], $0x40, s8, s18, $0xb8;
	[tilespmem:$0x17570] =	vst v63  }
0x47: {  	_ =	swait.ge [sflag:s15], $0x1400  }
0x48: {  	[sflag:s15] =	ssyncset.done $0x0  }
0x49: {  	s6 =	sadd.s32 @!p0 $0x1E0, s25;
	s8 =	simm.s32 @!p0 $0x6220;
	[sflag:s15] =	ssyncadd.s32 $0xFFFFEC00  }
0x4a: {  	[tilespmem:s8], [sflag:$0x2] =	stream.indirect.gather @!p0 [hbm4b:s4+s5], $0x40, s6, s5, $0xb8;
	[tilespmem:$0x17570] =	vst v63  }
0x4b: {  	v1 =	vld [tilespmem:s23+$0x2760];
	_ =	sdelay $0x7  }
0x4c: {  	[tilespmem:v1+s17+$0x0] =	vst.idx.add.f32.msk $0xffff, v0  }
0x4d: {  	v1 =	vld [tilespmem:s23+$0x2770];
	_ =	sdelay $0x7  }
0x4e: {  	[tilespmem:v1+s17+$0x0] =	vst.idx.add.f32.msk $0xffff, v0  }
0x4f: {  	v1 =	vld [tilespmem:s23+$0x2780];
	_ =	sdelay $0x7  }
0x50: {  	[tilespmem:v1+s17+$0x0] =	vst.idx.add.f32.msk $0xffff, v0  }
0x51: {  	v1 =	vld [tilespmem:s23+$0x2790];
	_ =	sdelay $0x7  }
0x52: {  	[tilespmem:v1+s17+$0x0] =	vst.idx.add.f32.msk $0xffff, v0  }
0x53: {  	v1 =	vld [tilespmem:s23+$0x27A0];
	_ =	sdelay $0x7  }
0x54: {  	[tilespmem:v1+s17+$0x0] =	vst.idx.add.f32.msk $0xffff, v0  }
0x55: {  	_ =	swait.ge [sflag:s31], $0x1400  }
0x56: {  	[sflag:s31] =	ssyncset.done $0x0  }
0x57: {  	s8 =	sadd.s32 $0x27B0, s23;
	[sflag:s31] =	ssyncadd.s32 $0xFFFFEC00  }
0x58: {  	[spmem:s2] =	stream.indirect.scatter.add.bf16 [tilespmem:s22], [sflag:$0x7], $0x40, s8, s18, $0xb8;
	[tilespmem:$0x17570] =	vst v63  }
0x59: {  	_ =	swait.ge [sflag:s15], $0x1400  }
0x5a: {  	[sflag:s15] =	ssyncset.done $0x0  }
0x5b: {  	s6 =	sadd.s32 @!p0 $0x230, s25;
	s8 =	simm.s32 @!p0 $0x7620;
	[sflag:s15] =	ssyncadd.s32 $0xFFFFEC00  }
0x5c: {  	[tilespmem:s8], [sflag:$0x3] =	stream.indirect.gather @!p0 [hbm4b:s4+s5], $0x40, s6, s5, $0xb8;
	[tilespmem:$0x17570] =	vst v63  }
0x5d: {  	v1 =	vld [tilespmem:s23+$0x27B0];
	_ =	sdelay $0x7  }
0x5e: {  	[tilespmem:v1+s17+$0x0] =	vst.idx.add.f32.msk $0xffff, v0  }
0x5f: {  	v1 =	vld [tilespmem:s23+$0x27C0];
	_ =	sdelay $0x7  }
0x60: {  	[tilespmem:v1+s17+$0x0] =	vst.idx.add.f32.msk $0xffff, v0  }
0x61: {  	v1 =	vld [tilespmem:s23+$0x27D0];
	_ =	sdelay $0x7  }
0x62: {  	[tilespmem:v1+s17+$0x0] =	vst.idx.add.f32.msk $0xffff, v0  }
0x63: {  	v1 =	vld [tilespmem:s23+$0x27E0];
	_ =	sdelay $0x7  }
0x64: {  	[tilespmem:v1+s17+$0x0] =	vst.idx.add.f32.msk $0xffff, v0  }
0x65: {  	v1 =	vld [tilespmem:s23+$0x27F0];
	_ =	sdelay $0x7  }
0x66: {  	[tilespmem:v1+s17+$0x0] =	vst.idx.add.f32.msk $0xffff, v0  }
0x67: {  	_ =	swait.ge [sflag:s0], $0x1400  }
0x68: {  	[sflag:s0] =	ssyncset.done $0x0  }
0x69: {  	s8 =	sadd.s32 $0x2800, s23;
	[sflag:s0] =	ssyncadd.s32 $0xFFFFEC00  }
0x6a: {  	[spmem:s2] =	stream.indirect.scatter.add.bf16 [tilespmem:s24], [sflag:$0x7], $0x40, s8, s18, $0xb8;
	[tilespmem:$0x17570] =	vst v63  }
0x6b: {  	_ =	swait.ge [sflag:s15], $0x1400  }
0x6c: {  	[sflag:s15] =	ssyncset.done $0x0  }
0x6d: {  	s6 =	sadd.s32 @!p0 $0x280, s25;
	s8 =	simm.s32 @!p0 $0x8A20;
	[sflag:s15] =	ssyncadd.s32 $0xFFFFEC00  }
0x6e: {  	[tilespmem:s8], [sflag:$0x4] =	stream.indirect.gather @!p0 [hbm4b:s4+s5], $0x40, s6, s5, $0xb8;
	[tilespmem:$0x17570] =	vst v63  }
0x6f: {  	v1 =	vld [tilespmem:s23+$0x2800];
	_ =	sdelay $0x7  }
0x70: {  	[tilespmem:v1+s17+$0x0] =	vst.idx.add.f32.msk $0xffff, v0  }
0x71: {  	v1 =	vld [tilespmem:s23+$0x2810];
	_ =	sdelay $0x7  }
0x72: {  	[tilespmem:v1+s17+$0x0] =	vst.idx.add.f32.msk $0xffff, v0  }
0x73: {  	v1 =	vld [tilespmem:s23+$0x2820];
	_ =	sdelay $0x7  }
0x74: {  	[tilespmem:v1+s17+$0x0] =	vst.idx.add.f32.msk $0xffff, v0  }
0x75: {  	v1 =	vld [tilespmem:s23+$0x2830];
	_ =	sdelay $0x7  }
0x76: {  	[tilespmem:v1+s17+$0x0] =	vst.idx.add.f32.msk $0xffff, v0  }
0x77: {  	v1 =	vld [tilespmem:s23+$0x2840];
	_ =	sdelay $0x7  }
0x78: {  	[tilespmem:v1+s17+$0x0] =	vst.idx.add.f32.msk $0xffff, v0  }
0x79: {  	_ =	swait.ge [sflag:s1], $0x1400  }
0x7a: {  	[sflag:s1] =	ssyncset.done $0x0  }
0x7b: {  	s8 =	sadd.s32 $0x2850, s23;
	[sflag:s1] =	ssyncadd.s32 $0xFFFFEC00  }
0x7c: {  	[spmem:s2] =	stream.indirect.scatter.add.bf16 [tilespmem:s26], [sflag:$0x7], $0x40, s8, s18, $0xb8;
	[tilespmem:$0x17570] =	vst v63  }
0x7d: {  	_ =	swait.ge [sflag:s15], $0x1400  }
0x7e: {  	[sflag:s15] =	ssyncset.done $0x0  }
0x7f: {  	s6 =	sadd.s32 @!p0 $0x2D0, s25;
	s8 =	simm.s32 @!p0 $0x9E20;
	[sflag:s15] =	ssyncadd.s32 $0xFFFFEC00  }
0x80: {  	[tilespmem:s8], [sflag:$0x5] =	stream.indirect.gather @!p0 [hbm4b:s4+s5], $0x40, s6, s5, $0xb8;
	[tilespmem:$0x17570] =	vst v63  }
0x81: {  	v1 =	vld [tilespmem:s23+$0x2850];
	_ =	sdelay $0x7  }
0x82: {  	[tilespmem:v1+s17+$0x0] =	vst.idx.add.f32.msk $0xffff, v0  }
0x83: {  	v1 =	vld [tilespmem:s23+$0x2860];
	_ =	sdelay $0x7  }
0x84: {  	[tilespmem:v1+s17+$0x0] =	vst.idx.add.f32.msk $0xffff, v0  }
0x85: {  	v1 =	vld [tilespmem:s23+$0x2870];
	_ =	sdelay $0x7  }
0x86: {  	[tilespmem:v1+s17+$0x0] =	vst.idx.add.f32.msk $0xffff, v0  }
0x87: {  	v1 =	vld [tilespmem:s23+$0x2880];
	_ =	sdelay $0x7  }
0x88: {  	[tilespmem:v1+s17+$0x0] =	vst.idx.add.f32.msk $0xffff, v0  }
0x89: {  	v1 =	vld [tilespmem:s23+$0x2890];
	_ =	sdelay $0x1  }
0x8a: {  	s21 =	sadd.s32 $0x640, s21  }
0x8b: {  	p0 =	sne.s32 s21, $0x9C40  }
.Ltmp0:
0x8c: {  	_ = 	snop;
	(pc) =	sbr.rel @p0 .LBB2_2-.Ltmp0, $2  }
0x8d: {  	_ =	sdelay $0x2  }
0x8e: {  	[tilespmem:v1+s17+$0x0] =	vst.idx.add.f32.msk $0xffff, v0  }
0x8f: {  	[hbm4b:s11+s3] =	stream.linear.scatter [tilespmem:s17], [sflag:$0x7], $0x2710, $0x38;
	[tilespmem:$0x17570] =	vst v63  }
0x90: {  	_ =	swait.ge [sflag:s15], $0x2710  }
0x91: {  	s16 =	sadd.s32 $0x1, s16;
	[sflag:s15] =	ssyncset.done $0x0  }
0x92: {  	p0 =	sne.s32 s16, s13;
	[sflag:s15] =	ssyncadd.s32 $0xFFFFD8F0  }
.Ltmp1:
0x93: {  	s5 =	sor.u32 $0x1C07, s7;
	[bflag:$0x0] =	sbarrier.arrive $0xFFFF;
	(pc) =	sbr.rel @p0 .LBB2_1-.Ltmp1, $4  }
0x94: {  	[hbm:s12], [sflag:s5] =	dma.local [spmem:s14], $0x1388  }
0x95: {  	_ =	swait.ge [sflag:s15], $0x1388  }
0x96: {  	[sflag:s15] =	ssyncset.done $0x0  }
0x97: {  	[sflag:s15] =	ssyncadd.s32 $0xFFFFEC78  }
0x98: {  	_ =	sfence.sel $0x180000  }
0x99: {  	[bflag:$0x0] =	sbarrier.arrive $0xFFFF  }
0x9a: {  	_ =	strace $0x90000047  }
0x9b: {  	s0 =	stileid.u32;
	[bflag:$0x2] =	sbarrier.arrive $0xFFFF  }
0x9c: {  	p0 =	sne.s32 s0, $0x0;
	s0 =	rddreg [dreg:$0x3]  }
0x9d: {  	s0 =	sadd.s32 @!p0 $0x100000, s0  }
0x9e: {  	[sflag:s0] =	ssyncadd.tile.s32 @!p0 $0x1;
	_ =	shalt  }
.Lfunc_end2:
_tile_overlayer_lowered:
.L_overlay_start_2:
0x9f: {  	(tag) =	ssettag $0x2  }
0xa0: {  	s0 =	rddreg [dreg:$0x0];
	s2 =	stileid.u32  }
0xa1: {  	s1 =	rddreg [dreg:$0x1];
	p0 =	sne.s32 s2, $0x0  }
0xa2: {  	s3 =	rddreg [dreg:$0x2];
	[bflag:$0x3] =	sbarrier.arrive $0xFFFF;
	s2 =	simm.s32 @!p0 $0x1C07  }
0xa3: {  	[timem:s3], [sflag:s2] =	dma.local @!p0 [hbm:s0], s1  }
0xa4: {  	s0 =	simm.s32 @!p0 $0x7  }
0xa5: {  	_ =	swait.ge @!p0 [sflag:s0], s1  }
0xa6: {  	s1 =	ssub.s32 @!p0 $0x0, s1;
	[sflag:s0] =	ssyncset.done @!p0 $0x0  }
0xa7: {  	[sflag:s0] =	ssyncadd.s32 @!p0 s1  }
0xa8: {  	[bflag:$0x3] =	sbarrier.arrive $0xFFFF  }
0xa9: {  	_ =	shalt  }

</sc_bundles>
